<compile_context>
chip_gen: v7x
topology: tpu7x:2x2x1
jax: 0.10.2.dev20260603
libtpu: 0.0.44.dev20260713+nightly
codegen_flags: <defaults>
</compile_context>

<pallas_src>
import jax
import jax.numpy as jnp
from jax.experimental import pallas as pl
from jax.experimental.pallas import tpu as pltpu
from jax.experimental.pallas import tpu_sc as plsc


BLK_S = 512
SC_BLK_S = 16
SC_LANES = 16


def _tc_add_kernel(x_ref, pos_ref, o_ref):
    o_ref[...] = x_ref[...] + pos_ref[...][None, :, :]


def _tc_part(x, pos_table, nb):
    B, S, D = x.shape
    return pl.pallas_call(
        _tc_add_kernel,
        grid=(S // BLK_S,),
        in_specs=[
            pl.BlockSpec((nb, BLK_S, D), lambda i: (0, i, 0)),
            pl.BlockSpec((BLK_S, D), lambda i: (i, 0)),
        ],
        out_specs=pl.BlockSpec((nb, BLK_S, D), lambda i: (0, i, 0)),
        out_shape=jax.ShapeDtypeStruct((nb, S, D), x.dtype),
    )(x, pos_table)


def _sc_part(x, pos_table, b):
    B, S, D = x.shape
    mesh = plsc.VectorSubcoreMesh(core_axis_name="core",
                                  subcore_axis_name="subcore")

    @pl.kernel(out_type=jax.ShapeDtypeStruct((1, S, D), x.dtype), mesh=mesh)
    def sc_kernel(x_hbm, pos_hbm, o_hbm):
        def body(x_vmem, pos_vmem, o_vmem):
            @pl.loop(0, SC_BLK_S)
            def _(r):
                @pl.loop(0, D, step=4 * SC_LANES)
                def _(c):
                    for u in range(4):
                        slc = (pl.ds(r, 1), pl.ds(c + u * SC_LANES, SC_LANES))
                        o_vmem.at[*slc][...] = (
                            x_vmem.at[*slc][...] + pos_vmem.at[*slc][...]
                        )

        pltpu.emit_pipeline(
            body,
            grid=(S // SC_BLK_S,),
            in_specs=[
                pl.BlockSpec((SC_BLK_S, D), index_map=lambda i: (i, 0)),
                pl.BlockSpec((SC_BLK_S, D), index_map=lambda i: (i, 0)),
            ],
            out_specs=[pl.BlockSpec((SC_BLK_S, D), index_map=lambda i: (i, 0))],
            core_axis_name=("core", "subcore"),
            dimension_semantics=(pltpu.PARALLEL,),
        )(x_hbm.at[b], pos_hbm, o_hbm.at[0])

    return sc_kernel(x, pos_table)


def kernel(x, pos_table):
    B, S, D = x.shape
    tc_out = _tc_part(x, pos_table, B - 1)
    sc_out = _sc_part(x, pos_table, B - 1)
    return jnp.concatenate([tc_out, sc_out], axis=0)

# --- scband reference (transcript-rebuilt; emitter-appended) ---
"""Pipeline reference for scband-learnable-positional-encoding-31018253812134 (READ-ONLY COPY).

The authoritative reference and input builder live on the scoring server;
editing this copy changes nothing except your own understanding.
"""

import jax, jax.numpy as jnp
import numpy as np

B, S, D = 4, 8192, 1024
MAX_LEN = 8192

def setup_inputs(seed: int = 0) -> dict:
    key = jax.random.key(seed)
    k1, k2 = jax.random.split(key)
    x = jax.random.normal(k1, (B, S, D), dtype=jnp.float32)
    # learned positional embedding table (Embedding(input_dim=max_len, output_dim=d_model))
    pos_table = jax.random.normal(k2, (MAX_LEN, D), dtype=jnp.float32) * 0.02
    return {"x": x, "pos_table": pos_table}

def reference(x, pos_table):
    seq_len = x.shape[1]
    positions = jnp.arange(seq_len, dtype=jnp.int32)
    embedded_positions = jnp.take(pos_table, positions, axis=0)  # [S, D] gather from table
    return x + embedded_positions[None, :, :]

if __name__ == "__main__":
    import jax
    _d = setup_inputs()
    print(jax.jit(kernel)(*tuple(_d.values())))

</pallas_src>

<mosaic_0001>
#map = affine_map<(d0, d1) -> (0, 0, 0)>
#map1 = affine_map<(d0, d1) -> (0, 0)>
module attributes {stable_mosaic.version = 14 : i64} {
  func.func @sc_kernel(%arg0: i32, %arg1: i32, %arg2: memref<4x8192x1024xf32, #tpu.memory_space<hbm>>, %arg3: memref<8192x1024xf32, #tpu.memory_space<hbm>>, %arg4: memref<1x8192x1024xf32, #tpu.memory_space<hbm>>) attributes {dimension_semantics = [#tpu.dimension_semantics<core_parallel>, #tpu.dimension_semantics<subcore_parallel>], iteration_bounds = array<i64: 2, 16>, scalar_prefetch = 0 : i64, scratch_operands = 0 : i64, tpu.core_type = #tpu.core_type<sc_vector_subcore>, window_params = [{transform_indices = #map}, {transform_indices = #map1}, {transform_indices = #map}]} {
    %mul3A = arith.constant 1 : i32
    %mul3A_0 = arith.muli %arg1, %mul3A : i32
    %add3A = arith.constant 0 : i32
    %add3A_1 = arith.addi %add3A, %mul3A_0 : i32
    %mul3A_2 = arith.constant 16 : i32
    %mul3A_3 = arith.muli %arg0, %mul3A_2 : i32
    %add3A_4 = arith.addi %add3A_1, %mul3A_3 : i32
    %mul3A_5 = arith.constant 16 : i32
    %mul3A_6 = arith.muli %add3A_4, %mul3A_5 : i32
    %run_scoped3A = arith.constant 3 : i32
    %run_scoped3A_7 = arith.constant 0 : i32
    "tpu.region"() ({
      %run_scoped3A_8 = memref.alloca() : memref<2x16x1024xf32, #tpu.memory_space<vmem>>
      %run_scoped3A_9 = tpu.sem_alloc : memref<2x!tpu.dma_semaphore, #tpu.memory_space<semaphore_mem>>
      %run_scoped3A_10 = memref.alloca() : memref<2x16x1024xf32, #tpu.memory_space<vmem>>
      %run_scoped3A_11 = tpu.sem_alloc : memref<2x!tpu.dma_semaphore, #tpu.memory_space<semaphore_mem>>
      %run_scoped3A_12 = memref.alloca() : memref<2x16x1024xf32, #tpu.memory_space<vmem>>
      %run_scoped3A_13 = tpu.sem_alloc : memref<2x!tpu.dma_semaphore, #tpu.memory_space<semaphore_mem>>
      %add3A_14 = arith.constant 0 : i32
      %add3A_15 = arith.addi %add3A_14, %mul3A_6 : i32
      %select_n3A = arith.constant true
      %select_n3A_16 = arith.constant 0 : i32
      %select_n3A_17 = arith.constant -1 : i32
      %select_n3A_18 = arith.select %select_n3A, %select_n3A_17, %select_n3A_16 : i32
      %eq3A = arith.constant -1 : i32
      %eq3A_19 = arith.cmpi eq, %select_n3A_18, %eq3A : i32
      %select_n3A_20 = arith.constant 15 : i32
      %select_n3A_21 = arith.select %eq3A_19, %select_n3A_20, %select_n3A_18 : i32
      %add3A_22 = arith.addi %select_n3A_21, %mul3A_6 : i32
      %select_n3A_23 = arith.constant true
      %select_n3A_24 = arith.constant 0 : i32
      %select_n3A_25 = arith.constant 1 : i32
      %select_n3A_26 = arith.select %select_n3A_23, %select_n3A_25, %select_n3A_24 : i32
      %eq3A_27 = arith.constant 16 : i32
      %eq3A_28 = arith.cmpi eq, %select_n3A_26, %eq3A_27 : i32
      %select_n3A_29 = arith.constant 0 : i32
      %select_n3A_30 = arith.select %eq3A_28, %select_n3A_29, %select_n3A_26 : i32
      %add3A_31 = arith.addi %select_n3A_30, %mul3A_6 : i32
      %add3A_32 = arith.constant 1 : i32
      %add3A_33 = arith.addi %select_n3A_30, %add3A_32 : i32
      %select_n3A_34 = arith.constant true
      %select_n3A_35 = arith.select %select_n3A_34, %add3A_33, %select_n3A_30 : i32
      %eq3A_36 = arith.constant 16 : i32
      %eq3A_37 = arith.cmpi eq, %select_n3A_35, %eq3A_36 : i32
      %select_n3A_38 = arith.constant 0 : i32
      %select_n3A_39 = arith.select %eq3A_37, %select_n3A_38, %select_n3A_35 : i32
      %add3A_40 = arith.addi %select_n3A_39, %mul3A_6 : i32
      "tpu.trace_start"() <{level = 10 : i32, message = "ep_initialize_0"}> : () -> ()
      %rem3A = arith.constant 0 : i32
      %rem3A_41 = arith.constant 2 : i32
      %rem3A_42 = arith.remui %rem3A, %rem3A_41 : i32
      %mul3A_43 = arith.constant 16 : i32
      %mul3A_44 = arith.muli %mul3A_43, %add3A_15 : i32
      %dma_start3A = arith.constant 0 : i32
      %dma_start3A_45 = arith.constant 0 : i32
      %dma_start3A_46 = tpu.memref_slice %run_scoped3A_8[%rem3A_42, %dma_start3A, %dma_start3A_45] : memref<2x16x1024xf32, #tpu.memory_space<vmem>> -> memref<1x16x1024xf32, #tpu.memory_space<vmem>>
      %dma_start3A_47 = tpu.memref_squeeze %dma_start3A_46 : memref<1x16x1024xf32, #tpu.memory_space<vmem>> -> memref<16x1024xf32, #tpu.memory_space<vmem>>
      %dma_start3A_48 = arith.constant 0 : i32
      %dma_start3A_49 = arith.constant 0 : i32
      %dma_start3A_50 = tpu.memref_slice %arg2[%run_scoped3A, %dma_start3A_48, %dma_start3A_49] : memref<4x8192x1024xf32, #tpu.memory_space<hbm>> -> memref<1x8192x1024xf32, #tpu.memory_space<hbm>>
      %dma_start3A_51 = tpu.memref_squeeze %dma_start3A_50 : memref<1x8192x1024xf32, #tpu.memory_space<hbm>> -> memref<8192x1024xf32, #tpu.memory_space<hbm>>
      %dma_start3A_52 = arith.constant 0 : i32
      %dma_start3A_53 = tpu.memref_slice %dma_start3A_51[%mul3A_44, %dma_start3A_52] : memref<8192x1024xf32, #tpu.memory_space<hbm>> -> memref<16x1024xf32, #tpu.memory_space<hbm>>
      %dma_start3A_54 = tpu.memref_slice %run_scoped3A_9[%rem3A_42] : memref<2x!tpu.dma_semaphore, #tpu.memory_space<semaphore_mem>> -> memref<1x!tpu.dma_semaphore, #tpu.memory_space<semaphore_mem>>
      %dma_start3A_55 = tpu.memref_squeeze %dma_start3A_54 : memref<1x!tpu.dma_semaphore, #tpu.memory_space<semaphore_mem>> -> memref<!tpu.dma_semaphore, #tpu.memory_space<semaphore_mem>>
      %dma_start3A_56 = arith.constant 0 : i32
      %dma_start3A_57 = arith.constant 0 : i32
      %dma_start3A_58 = tpu.memref_slice %run_scoped3A_8[%rem3A_42, %dma_start3A_56, %dma_start3A_57] : memref<2x16x1024xf32, #tpu.memory_space<vmem>> -> memref<1x16x1024xf32, #tpu.memory_space<vmem>>
      %dma_start3A_59 = tpu.memref_squeeze %dma_start3A_58 : memref<1x16x1024xf32, #tpu.memory_space<vmem>> -> memref<16x1024xf32, #tpu.memory_space<vmem>>
      %dma_start3A_60 = arith.constant 0 : i32
      %dma_start3A_61 = arith.constant 0 : i32
      %dma_start3A_62 = tpu.memref_slice %arg2[%run_scoped3A, %dma_start3A_60, %dma_start3A_61] : memref<4x8192x1024xf32, #tpu.memory_space<hbm>> -> memref<1x8192x1024xf32, #tpu.memory_space<hbm>>
      %dma_start3A_63 = tpu.memref_squeeze %dma_start3A_62 : memref<1x8192x1024xf32, #tpu.memory_space<hbm>> -> memref<8192x1024xf32, #tpu.memory_space<hbm>>
      %dma_start3A_64 = arith.constant 0 : i32
      %dma_start3A_65 = tpu.memref_slice %dma_start3A_63[%mul3A_44, %dma_start3A_64] : memref<8192x1024xf32, #tpu.memory_space<hbm>> -> memref<16x1024xf32, #tpu.memory_space<hbm>>
      tpu.enqueue_dma source(%dma_start3A_65 : memref<16x1024xf32, #tpu.memory_space<hbm>>) target(%dma_start3A_59 : memref<16x1024xf32, #tpu.memory_space<vmem>>) target_semaphore(%dma_start3A_55 : memref<!tpu.dma_semaphore, #tpu.memory_space<semaphore_mem>>)
      %add3A_66 = arith.constant 0 : i32
      %add3A_67 = arith.constant 1 : i32
      %add3A_68 = arith.addi %add3A_66, %add3A_67 : i32
      %select_n3A_69 = arith.constant true
      %select_n3A_70 = arith.constant 0 : i32
      %select_n3A_71 = arith.select %select_n3A_69, %add3A_68, %select_n3A_70 : i32
      %rem3A_72 = arith.constant 0 : i32
      %rem3A_73 = arith.constant 2 : i32
      %rem3A_74 = arith.remui %rem3A_72, %rem3A_73 : i32
      %mul3A_75 = arith.constant 16 : i32
      %mul3A_76 = arith.muli %mul3A_75, %add3A_15 : i32
      %dma_start3A_77 = arith.constant 0 : i32
      %dma_start3A_78 = arith.constant 0 : i32
      %dma_start3A_79 = tpu.memref_slice %run_scoped3A_10[%rem3A_74, %dma_start3A_77, %dma_start3A_78] : memref<2x16x1024xf32, #tpu.memory_space<vmem>> -> memref<1x16x1024xf32, #tpu.memory_space<vmem>>
      %dma_start3A_80 = tpu.memref_squeeze %dma_start3A_79 : memref<1x16x1024xf32, #tpu.memory_space<vmem>> -> memref<16x1024xf32, #tpu.memory_space<vmem>>
      %dma_start3A_81 = arith.constant 0 : i32
      %dma_start3A_82 = tpu.memref_slice %arg3[%mul3A_76, %dma_start3A_81] : memref<8192x1024xf32, #tpu.memory_space<hbm>> -> memref<16x1024xf32, #tpu.memory_space<hbm>>
      %dma_start3A_83 = tpu.memref_slice %run_scoped3A_11[%rem3A_74] : memref<2x!tpu.dma_semaphore, #tpu.memory_space<semaphore_mem>> -> memref<1x!tpu.dma_semaphore, #tpu.memory_space<semaphore_mem>>
      %dma_start3A_84 = tpu.memref_squeeze %dma_start3A_83 : memref<1x!tpu.dma_semaphore, #tpu.memory_space<semaphore_mem>> -> memref<!tpu.dma_semaphore, #tpu.memory_space<semaphore_mem>>
      %dma_start3A_85 = arith.constant 0 : i32
      %dma_start3A_86 = arith.constant 0 : i32
      %dma_start3A_87 = tpu.memref_slice %run_scoped3A_10[%rem3A_74, %dma_start3A_85, %dma_start3A_86] : memref<2x16x1024xf32, #tpu.memory_space<vmem>> -> memref<1x16x1024xf32, #tpu.memory_space<vmem>>
      %dma_start3A_88 = tpu.memref_squeeze %dma_start3A_87 : memref<1x16x1024xf32, #tpu.memory_space<vmem>> -> memref<16x1024xf32, #tpu.memory_space<vmem>>
      %dma_start3A_89 = arith.constant 0 : i32
      %dma_start3A_90 = tpu.memref_slice %arg3[%mul3A_76, %dma_start3A_89] : memref<8192x1024xf32, #tpu.memory_space<hbm>> -> memref<16x1024xf32, #tpu.memory_space<hbm>>
      tpu.enqueue_dma source(%dma_start3A_90 : memref<16x1024xf32, #tpu.memory_space<hbm>>) target(%dma_start3A_88 : memref<16x1024xf32, #tpu.memory_space<vmem>>) target_semaphore(%dma_start3A_84 : memref<!tpu.dma_semaphore, #tpu.memory_space<semaphore_mem>>)
      %add3A_91 = arith.constant 0 : i32
      %add3A_92 = arith.constant 1 : i32
      %add3A_93 = arith.addi %add3A_91, %add3A_92 : i32
      %select_n3A_94 = arith.constant true
      %select_n3A_95 = arith.constant 0 : i32
      %select_n3A_96 = arith.select %select_n3A_94, %add3A_93, %select_n3A_95 : i32
      "tpu.trace_stop"() : () -> ()
      %scan3A = arith.constant 0 : i32
      %scan3A_97 = arith.constant 0 : i32
      %scan3A_98 = arith.constant 0 : i32
      %scan3A_99 = arith.constant 0 : i32
      %scan3A_100 = arith.constant 0 : i32
      %scan3A_101 = arith.constant 0 : i32
      %scan3A_102 = arith.constant 16 : i32
      %scan3A_103 = arith.addi %scan3A_101, %scan3A_102 : i32
      %scan3A_104 = arith.constant 1 : i32
      %scan3A_105:7 = scf.for %scan3A_167 = %scan3A_101 to %scan3A_103 step %scan3A_104 iter_args(%scan3A_168 = %select_n3A_71, %scan3A_169 = %scan3A, %scan3A_170 = %select_n3A_96, %scan3A_171 = %scan3A_97, %scan3A_172 = %scan3A_98, %scan3A_173 = %scan3A_99, %scan3A_174 = %scan3A_100) -> (i32, i32, i32, i32, i32, i32, i32)  : i32 {
        %eq3A_175 = arith.constant 0 : i32
        %eq3A_176 = arith.cmpi eq, %scan3A_167, %eq3A_175 : i32
        %eq3A_177 = arith.constant 15 : i32
        %eq3A_178 = arith.cmpi eq, %scan3A_167, %eq3A_177 : i32
        %add3A_179 = arith.addi %scan3A_174, %mul3A_6 : i32
        %sub3A_180 = arith.constant 1 : i32
        %sub3A_181 = arith.subi %scan3A_174, %sub3A_180 : i32
        %select_n3A_182 = arith.constant true
        %select_n3A_183 = arith.select %select_n3A_182, %sub3A_181, %scan3A_174 : i32
        %eq3A_184 = arith.constant -1 : i32
        %eq3A_185 = arith.cmpi eq, %select_n3A_183, %eq3A_184 : i32
        %select_n3A_186 = arith.constant 15 : i32
        %select_n3A_187 = arith.select %eq3A_185, %select_n3A_186, %select_n3A_183 : i32
        %add3A_188 = arith.addi %select_n3A_187, %mul3A_6 : i32
        %add3A_189 = arith.constant 1 : i32
        %add3A_190 = arith.addi %scan3A_174, %add3A_189 : i32
        %select_n3A_191 = arith.constant true
        %select_n3A_192 = arith.select %select_n3A_191, %add3A_190, %scan3A_174 : i32
        %eq3A_193 = arith.constant 16 : i32
        %eq3A_194 = arith.cmpi eq, %select_n3A_192, %eq3A_193 : i32
        %select_n3A_195 = arith.constant 0 : i32
        %select_n3A_196 = arith.select %eq3A_194, %select_n3A_195, %select_n3A_192 : i32
        %add3A_197 = arith.addi %select_n3A_196, %mul3A_6 : i32
        %add3A_198 = arith.constant 1 : i32
        %add3A_199 = arith.addi %select_n3A_196, %add3A_198 : i32
        %select_n3A_200 = arith.constant true
        %select_n3A_201 = arith.select %select_n3A_200, %add3A_199, %select_n3A_196 : i32
        %eq3A_202 = arith.constant 16 : i32
        %eq3A_203 = arith.cmpi eq, %select_n3A_201, %eq3A_202 : i32
        %select_n3A_204 = arith.constant 0 : i32
        %select_n3A_205 = arith.select %eq3A_203, %select_n3A_204, %select_n3A_201 : i32
        %add3A_206 = arith.addi %select_n3A_205, %mul3A_6 : i32
        %ne3A = arith.cmpi ne, %add3A_179, %add3A_197 : i32
        %or3A = arith.constant false
        %or3A_207 = arith.ori %or3A, %ne3A : i1
        %or3A_208 = arith.constant false
        %or3A_209 = arith.ori %or3A_207, %or3A_208 : i1
        %ge3A = arith.constant 15 : i32
        %ge3A_210 = arith.cmpi sge, %scan3A_167, %ge3A : i32
        %not3A = arith.constant true
        %not3A_211 = arith.xori %ge3A_210, %not3A : i1
        %and3A = arith.andi %or3A_209, %not3A_211 : i1
        %convert_element_type3A = arith.extui %and3A : i1 to i32
        %cond3A = arith.constant 0 : i32
        %cond3A_212 = arith.cmpi ne, %convert_element_type3A, %cond3A : i32
        scf.if %cond3A_212 {
          "tpu.trace_start"() <{level = 10 : i32, message = "ep_copy_in"}> : () -> ()
          %rem3A_388 = arith.constant 2 : i32
          %rem3A_389 = arith.remui %scan3A_168, %rem3A_388 : i32
          %mul3A_390 = arith.constant 16 : i32
          %mul3A_391 = arith.muli %mul3A_390, %add3A_197 : i32
          %dma_start3A_392 = arith.constant 0 : i32
          %dma_start3A_393 = arith.constant 0 : i32
          %dma_start3A_394 = tpu.memref_slice %run_scoped3A_8[%rem3A_389, %dma_start3A_392, %dma_start3A_393] : memref<2x16x1024xf32, #tpu.memory_space<vmem>> -> memref<1x16x1024xf32, #tpu.memory_space<vmem>>
          %dma_start3A_395 = tpu.memref_squeeze %dma_start3A_394 : memref<1x16x1024xf32, #tpu.memory_space<vmem>> -> memref<16x1024xf32, #tpu.memory_space<vmem>>
          %dma_start3A_396 = arith.constant 0 : i32
          %dma_start3A_397 = arith.constant 0 : i32
          %dma_start3A_398 = tpu.memref_slice %arg2[%run_scoped3A, %dma_start3A_396, %dma_start3A_397] : memref<4x8192x1024xf32, #tpu.memory_space<hbm>> -> memref<1x8192x1024xf32, #tpu.memory_space<hbm>>
          %dma_start3A_399 = tpu.memref_squeeze %dma_start3A_398 : memref<1x8192x1024xf32, #tpu.memory_space<hbm>> -> memref<8192x1024xf32, #tpu.memory_space<hbm>>
          %dma_start3A_400 = arith.constant 0 : i32
          %dma_start3A_401 = tpu.memref_slice %dma_start3A_399[%mul3A_391, %dma_start3A_400] : memref<8192x1024xf32, #tpu.memory_space<hbm>> -> memref<16x1024xf32, #tpu.memory_space<hbm>>
          %dma_start3A_402 = tpu.memref_slice %run_scoped3A_9[%rem3A_389] : memref<2x!tpu.dma_semaphore, #tpu.memory_space<semaphore_mem>> -> memref<1x!tpu.dma_semaphore, #tpu.memory_space<semaphore_mem>>
          %dma_start3A_403 = tpu.memref_squeeze %dma_start3A_402 : memref<1x!tpu.dma_semaphore, #tpu.memory_space<semaphore_mem>> -> memref<!tpu.dma_semaphore, #tpu.memory_space<semaphore_mem>>
          %dma_start3A_404 = arith.constant 0 : i32
          %dma_start3A_405 = arith.constant 0 : i32
          %dma_start3A_406 = tpu.memref_slice %run_scoped3A_8[%rem3A_389, %dma_start3A_404, %dma_start3A_405] : memref<2x16x1024xf32, #tpu.memory_space<vmem>> -> memref<1x16x1024xf32, #tpu.memory_space<vmem>>
          %dma_start3A_407 = tpu.memref_squeeze %dma_start3A_406 : memref<1x16x1024xf32, #tpu.memory_space<vmem>> -> memref<16x1024xf32, #tpu.memory_space<vmem>>
          %dma_start3A_408 = arith.constant 0 : i32
          %dma_start3A_409 = arith.constant 0 : i32
          %dma_start3A_410 = tpu.memref_slice %arg2[%run_scoped3A, %dma_start3A_408, %dma_start3A_409] : memref<4x8192x1024xf32, #tpu.memory_space<hbm>> -> memref<1x8192x1024xf32, #tpu.memory_space<hbm>>
          %dma_start3A_411 = tpu.memref_squeeze %dma_start3A_410 : memref<1x8192x1024xf32, #tpu.memory_space<hbm>> -> memref<8192x1024xf32, #tpu.memory_space<hbm>>
          %dma_start3A_412 = arith.constant 0 : i32
          %dma_start3A_413 = tpu.memref_slice %dma_start3A_411[%mul3A_391, %dma_start3A_412] : memref<8192x1024xf32, #tpu.memory_space<hbm>> -> memref<16x1024xf32, #tpu.memory_space<hbm>>
          tpu.enqueue_dma source(%dma_start3A_413 : memref<16x1024xf32, #tpu.memory_space<hbm>>) target(%dma_start3A_407 : memref<16x1024xf32, #tpu.memory_space<vmem>>) target_semaphore(%dma_start3A_403 : memref<!tpu.dma_semaphore, #tpu.memory_space<semaphore_mem>>)
          "tpu.trace_stop"() : () -> ()
        } else {
        }
        %and3A_213 = arith.constant true
        %and3A_214 = arith.andi %and3A, %and3A_213 : i1
        %add3A_215 = arith.constant 1 : i32
        %add3A_216 = arith.addi %scan3A_168, %add3A_215 : i32
        %select_n3A_217 = arith.select %and3A_214, %add3A_216, %scan3A_168 : i32
        %ne3A_218 = arith.cmpi ne, %add3A_179, %add3A_197 : i32
        %or3A_219 = arith.constant false
        %or3A_220 = arith.ori %or3A_219, %ne3A_218 : i1
        %or3A_221 = arith.constant false
        %or3A_222 = arith.ori %or3A_220, %or3A_221 : i1
        %ge3A_223 = arith.constant 15 : i32
        %ge3A_224 = arith.cmpi sge, %scan3A_167, %ge3A_223 : i32
        %not3A_225 = arith.constant true
        %not3A_226 = arith.xori %ge3A_224, %not3A_225 : i1
        %and3A_227 = arith.andi %or3A_222, %not3A_226 : i1
        %convert_element_type3A_228 = arith.extui %and3A_227 : i1 to i32
        %cond3A_229 = arith.constant 0 : i32
        %cond3A_230 = arith.cmpi ne, %convert_element_type3A_228, %cond3A_229 : i32
        scf.if %cond3A_230 {
          "tpu.trace_start"() <{level = 10 : i32, message = "ep_copy_in"}> : () -> ()
          %rem3A_388 = arith.constant 2 : i32
          %rem3A_389 = arith.remui %scan3A_170, %rem3A_388 : i32
          %mul3A_390 = arith.constant 16 : i32
          %mul3A_391 = arith.muli %mul3A_390, %add3A_197 : i32
          %dma_start3A_392 = arith.constant 0 : i32
          %dma_start3A_393 = arith.constant 0 : i32
          %dma_start3A_394 = tpu.memref_slice %run_scoped3A_10[%rem3A_389, %dma_start3A_392, %dma_start3A_393] : memref<2x16x1024xf32, #tpu.memory_space<vmem>> -> memref<1x16x1024xf32, #tpu.memory_space<vmem>>
          %dma_start3A_395 = tpu.memref_squeeze %dma_start3A_394 : memref<1x16x1024xf32, #tpu.memory_space<vmem>> -> memref<16x1024xf32, #tpu.memory_space<vmem>>
          %dma_start3A_396 = arith.constant 0 : i32
          %dma_start3A_397 = tpu.memref_slice %arg3[%mul3A_391, %dma_start3A_396] : memref<8192x1024xf32, #tpu.memory_space<hbm>> -> memref<16x1024xf32, #tpu.memory_space<hbm>>
          %dma_start3A_398 = tpu.memref_slice %run_scoped3A_11[%rem3A_389] : memref<2x!tpu.dma_semaphore, #tpu.memory_space<semaphore_mem>> -> memref<1x!tpu.dma_semaphore, #tpu.memory_space<semaphore_mem>>
          %dma_start3A_399 = tpu.memref_squeeze %dma_start3A_398 : memref<1x!tpu.dma_semaphore, #tpu.memory_space<semaphore_mem>> -> memref<!tpu.dma_semaphore, #tpu.memory_space<semaphore_mem>>
          %dma_start3A_400 = arith.constant 0 : i32
          %dma_start3A_401 = arith.constant 0 : i32
          %dma_start3A_402 = tpu.memref_slice %run_scoped3A_10[%rem3A_389, %dma_start3A_400, %dma_start3A_401] : memref<2x16x1024xf32, #tpu.memory_space<vmem>> -> memref<1x16x1024xf32, #tpu.memory_space<vmem>>
          %dma_start3A_403 = tpu.memref_squeeze %dma_start3A_402 : memref<1x16x1024xf32, #tpu.memory_space<vmem>> -> memref<16x1024xf32, #tpu.memory_space<vmem>>
          %dma_start3A_404 = arith.constant 0 : i32
          %dma_start3A_405 = tpu.memref_slice %arg3[%mul3A_391, %dma_start3A_404] : memref<8192x1024xf32, #tpu.memory_space<hbm>> -> memref<16x1024xf32, #tpu.memory_space<hbm>>
          tpu.enqueue_dma source(%dma_start3A_405 : memref<16x1024xf32, #tpu.memory_space<hbm>>) target(%dma_start3A_403 : memref<16x1024xf32, #tpu.memory_space<vmem>>) target_semaphore(%dma_start3A_399 : memref<!tpu.dma_semaphore, #tpu.memory_space<semaphore_mem>>)
          "tpu.trace_stop"() : () -> ()
        } else {
        }
        %and3A_231 = arith.constant true
        %and3A_232 = arith.andi %and3A_227, %and3A_231 : i1
        %add3A_233 = arith.constant 1 : i32
        %add3A_234 = arith.addi %scan3A_170, %add3A_233 : i32
        %select_n3A_235 = arith.select %and3A_232, %add3A_234, %scan3A_170 : i32
        %ne3A_236 = arith.cmpi ne, %add3A_179, %add3A_197 : i32
        %or3A_237 = arith.constant false
        %or3A_238 = arith.ori %or3A_237, %ne3A_236 : i1
        %or3A_239 = arith.constant false
        %or3A_240 = arith.ori %or3A_238, %or3A_239 : i1
        %ge3A_241 = arith.constant 15 : i32
        %ge3A_242 = arith.cmpi sge, %scan3A_167, %ge3A_241 : i32
        %not3A_243 = arith.constant true
        %not3A_244 = arith.xori %ge3A_242, %not3A_243 : i1
        %and3A_245 = arith.andi %or3A_240, %not3A_244 : i1
        %ne3A_246 = arith.cmpi ne, %add3A_179, %add3A_188 : i32
        %or3A_247 = arith.constant false
        %or3A_248 = arith.ori %or3A_247, %ne3A_246 : i1
        %or3A_249 = arith.constant false
        %or3A_250 = arith.ori %or3A_248, %or3A_249 : i1
        %or3A_251 = arith.ori %or3A_250, %eq3A_176 : i1
        %convert_element_type3A_252 = arith.extui %or3A_251 : i1 to i32
        %cond3A_253 = arith.constant 0 : i32
        %cond3A_254 = arith.cmpi ne, %convert_element_type3A_252, %cond3A_253 : i32
        scf.if %cond3A_254 {
          "tpu.trace_start"() <{level = 10 : i32, message = "ep_wait_in"}> : () -> ()
          %mul3A_388 = arith.constant 16 : i32
          %mul3A_389 = arith.muli %mul3A_388, %add3A_179 : i32
          %rem3A_390 = arith.constant 2 : i32
          %rem3A_391 = arith.remui %scan3A_169, %rem3A_390 : i32
          %dma_wait3A_392 = arith.constant 0 : i32
          %dma_wait3A_393 = arith.constant 0 : i32
          %dma_wait3A_394 = tpu.memref_slice %run_scoped3A_8[%rem3A_391, %dma_wait3A_392, %dma_wait3A_393] : memref<2x16x1024xf32, #tpu.memory_space<vmem>> -> memref<1x16x1024xf32, #tpu.memory_space<vmem>>
          %dma_wait3A_395 = tpu.memref_squeeze %dma_wait3A_394 : memref<1x16x1024xf32, #tpu.memory_space<vmem>> -> memref<16x1024xf32, #tpu.memory_space<vmem>>
          %dma_wait3A_396 = arith.constant 0 : i32
          %dma_wait3A_397 = arith.constant 0 : i32
          %dma_wait3A_398 = tpu.memref_slice %arg2[%run_scoped3A, %dma_wait3A_396, %dma_wait3A_397] : memref<4x8192x1024xf32, #tpu.memory_space<hbm>> -> memref<1x8192x1024xf32, #tpu.memory_space<hbm>>
          %dma_wait3A_399 = tpu.memref_squeeze %dma_wait3A_398 : memref<1x8192x1024xf32, #tpu.memory_space<hbm>> -> memref<8192x1024xf32, #tpu.memory_space<hbm>>
          %dma_wait3A_400 = arith.constant 0 : i32
          %dma_wait3A_401 = tpu.memref_slice %dma_wait3A_399[%mul3A_389, %dma_wait3A_400] : memref<8192x1024xf32, #tpu.memory_space<hbm>> -> memref<16x1024xf32, #tpu.memory_space<hbm>>
          %dma_wait3A_402 = tpu.memref_slice %run_scoped3A_9[%rem3A_391] : memref<2x!tpu.dma_semaphore, #tpu.memory_space<semaphore_mem>> -> memref<1x!tpu.dma_semaphore, #tpu.memory_space<semaphore_mem>>
          %dma_wait3A_403 = tpu.memref_squeeze %dma_wait3A_402 : memref<1x!tpu.dma_semaphore, #tpu.memory_space<semaphore_mem>> -> memref<!tpu.dma_semaphore, #tpu.memory_space<semaphore_mem>>
          %dma_wait3A_404 = arith.constant 0 : i32
          %dma_wait3A_405 = arith.constant 0 : i32
          %dma_wait3A_406 = tpu.memref_slice %run_scoped3A_8[%rem3A_391, %dma_wait3A_404, %dma_wait3A_405] : memref<2x16x1024xf32, #tpu.memory_space<vmem>> -> memref<1x16x1024xf32, #tpu.memory_space<vmem>>
          %dma_wait3A_407 = tpu.memref_squeeze %dma_wait3A_406 : memref<1x16x1024xf32, #tpu.memory_space<vmem>> -> memref<16x1024xf32, #tpu.memory_space<vmem>>
          %dma_wait3A_408 = arith.constant 0 : i32
          %dma_wait3A_409 = arith.constant 0 : i32
          %dma_wait3A_410 = tpu.memref_slice %arg2[%run_scoped3A, %dma_wait3A_408, %dma_wait3A_409] : memref<4x8192x1024xf32, #tpu.memory_space<hbm>> -> memref<1x8192x1024xf32, #tpu.memory_space<hbm>>
          %dma_wait3A_411 = tpu.memref_squeeze %dma_wait3A_410 : memref<1x8192x1024xf32, #tpu.memory_space<hbm>> -> memref<8192x1024xf32, #tpu.memory_space<hbm>>
          %dma_wait3A_412 = arith.constant 0 : i32
          %dma_wait3A_413 = tpu.memref_slice %dma_wait3A_411[%mul3A_389, %dma_wait3A_412] : memref<8192x1024xf32, #tpu.memory_space<hbm>> -> memref<16x1024xf32, #tpu.memory_space<hbm>>
          tpu.wait_dma2 semaphore(%dma_wait3A_403 : memref<!tpu.dma_semaphore, #tpu.memory_space<semaphore_mem>>) src(%dma_wait3A_413 : memref<16x1024xf32, #tpu.memory_space<hbm>>) dst(%dma_wait3A_407 : memref<16x1024xf32, #tpu.memory_space<vmem>>)
          "tpu.trace_stop"() : () -> ()
        } else {
        }
        %ne3A_255 = arith.cmpi ne, %add3A_179, %add3A_188 : i32
        %or3A_256 = arith.constant false
        %or3A_257 = arith.ori %or3A_256, %ne3A_255 : i1
        %or3A_258 = arith.constant false
        %or3A_259 = arith.ori %or3A_257, %or3A_258 : i1
        %or3A_260 = arith.ori %or3A_259, %eq3A_176 : i1
        %convert_element_type3A_261 = arith.extui %or3A_260 : i1 to i32
        %cond3A_262 = arith.constant 0 : i32
        %cond3A_263 = arith.cmpi ne, %convert_element_type3A_261, %cond3A_262 : i32
        scf.if %cond3A_263 {
          "tpu.trace_start"() <{level = 10 : i32, message = "ep_wait_in"}> : () -> ()
          %mul3A_388 = arith.constant 16 : i32
          %mul3A_389 = arith.muli %mul3A_388, %add3A_179 : i32
          %rem3A_390 = arith.constant 2 : i32
          %rem3A_391 = arith.remui %scan3A_171, %rem3A_390 : i32
          %dma_wait3A_392 = arith.constant 0 : i32
          %dma_wait3A_393 = arith.constant 0 : i32
          %dma_wait3A_394 = tpu.memref_slice %run_scoped3A_10[%rem3A_391, %dma_wait3A_392, %dma_wait3A_393] : memref<2x16x1024xf32, #tpu.memory_space<vmem>> -> memref<1x16x1024xf32, #tpu.memory_space<vmem>>
          %dma_wait3A_395 = tpu.memref_squeeze %dma_wait3A_394 : memref<1x16x1024xf32, #tpu.memory_space<vmem>> -> memref<16x1024xf32, #tpu.memory_space<vmem>>
          %dma_wait3A_396 = arith.constant 0 : i32
          %dma_wait3A_397 = tpu.memref_slice %arg3[%mul3A_389, %dma_wait3A_396] : memref<8192x1024xf32, #tpu.memory_space<hbm>> -> memref<16x1024xf32, #tpu.memory_space<hbm>>
          %dma_wait3A_398 = tpu.memref_slice %run_scoped3A_11[%rem3A_391] : memref<2x!tpu.dma_semaphore, #tpu.memory_space<semaphore_mem>> -> memref<1x!tpu.dma_semaphore, #tpu.memory_space<semaphore_mem>>
          %dma_wait3A_399 = tpu.memref_squeeze %dma_wait3A_398 : memref<1x!tpu.dma_semaphore, #tpu.memory_space<semaphore_mem>> -> memref<!tpu.dma_semaphore, #tpu.memory_space<semaphore_mem>>
          %dma_wait3A_400 = arith.constant 0 : i32
          %dma_wait3A_401 = arith.constant 0 : i32
          %dma_wait3A_402 = tpu.memref_slice %run_scoped3A_10[%rem3A_391, %dma_wait3A_400, %dma_wait3A_401] : memref<2x16x1024xf32, #tpu.memory_space<vmem>> -> memref<1x16x1024xf32, #tpu.memory_space<vmem>>
          %dma_wait3A_403 = tpu.memref_squeeze %dma_wait3A_402 : memref<1x16x1024xf32, #tpu.memory_space<vmem>> -> memref<16x1024xf32, #tpu.memory_space<vmem>>
          %dma_wait3A_404 = arith.constant 0 : i32
          %dma_wait3A_405 = tpu.memref_slice %arg3[%mul3A_389, %dma_wait3A_404] : memref<8192x1024xf32, #tpu.memory_space<hbm>> -> memref<16x1024xf32, #tpu.memory_space<hbm>>
          tpu.wait_dma2 semaphore(%dma_wait3A_399 : memref<!tpu.dma_semaphore, #tpu.memory_space<semaphore_mem>>) src(%dma_wait3A_405 : memref<16x1024xf32, #tpu.memory_space<hbm>>) dst(%dma_wait3A_403 : memref<16x1024xf32, #tpu.memory_space<vmem>>)
          "tpu.trace_stop"() : () -> ()
        } else {
        }
        %ne3A_264 = arith.cmpi ne, %add3A_179, %add3A_188 : i32
        %or3A_265 = arith.constant false
        %or3A_266 = arith.ori %or3A_265, %ne3A_264 : i1
        %or3A_267 = arith.constant false
        %or3A_268 = arith.ori %or3A_266, %or3A_267 : i1
        %or3A_269 = arith.ori %or3A_268, %eq3A_176 : i1
        %convert_element_type3A_270 = arith.extui %or3A_269 : i1 to i32
        %cond3A_271 = arith.constant 0 : i32
        %cond3A_272 = arith.cmpi ne, %convert_element_type3A_270, %cond3A_271 : i32
        scf.if %cond3A_272 {
        } else {
        }
        %rem3A_273 = arith.constant 2 : i32
        %rem3A_274 = arith.remui %scan3A_169, %rem3A_273 : i32
        %rem3A_275 = arith.constant 2 : i32
        %rem3A_276 = arith.remui %scan3A_171, %rem3A_275 : i32
        %rem3A_277 = arith.constant 2 : i32
        %rem3A_278 = arith.remui %scan3A_172, %rem3A_277 : i32
        "tpu.trace_start"() <{level = 10 : i32, message = "ep_run_kernel"}> : () -> ()
        %scan3A_279 = arith.constant 0 : i32
        %scan3A_280 = arith.constant 16 : i32
        %scan3A_281 = arith.addi %scan3A_279, %scan3A_280 : i32
        %scan3A_282 = arith.constant 1 : i32
        scf.for %scan3A_388 = %scan3A_279 to %scan3A_281 step %scan3A_282  : i32 {
          %mul3A_389 = arith.constant 1 : i32
          %mul3A_390 = arith.muli %scan3A_388, %mul3A_389 : i32
          %add3A_391 = arith.constant 0 : i32
          %add3A_392 = arith.addi %add3A_391, %mul3A_390 : i32
          %scan3A_393 = arith.constant 0 : i32
          %scan3A_394 = arith.constant 16 : i32
          %scan3A_395 = arith.addi %scan3A_393, %scan3A_394 : i32
          %scan3A_396 = arith.constant 1 : i32
          scf.for %scan3A_398 = %scan3A_393 to %scan3A_395 step %scan3A_396  : i32 {
            %mul3A_399 = arith.constant 64 : i32
            %mul3A_400 = arith.muli %scan3A_398, %mul3A_399 : i32
            %add3A_401 = arith.constant 0 : i32
            %add3A_402 = arith.addi %add3A_401, %mul3A_400 : i32
            %add3A_403 = arith.constant 0 : i32
            %add3A_404 = arith.addi %add3A_402, %add3A_403 : i32
            %get3A = arith.constant 0 : i32
            %get3A_405 = arith.constant 0 : i32
            %get3A_406 = tpu.memref_slice %run_scoped3A_8[%rem3A_274, %get3A, %get3A_405] : memref<2x16x1024xf32, #tpu.memory_space<vmem>> -> memref<1x16x1024xf32, #tpu.memory_space<vmem>>
            %get3A_407 = tpu.memref_squeeze %get3A_406 : memref<1x16x1024xf32, #tpu.memory_space<vmem>> -> memref<16x1024xf32, #tpu.memory_space<vmem>>
            %get3A_408 = arith.index_cast %add3A_392 : i32 to index
            %get3A_409 = arith.index_cast %add3A_404 : i32 to index
            %get3A_410 = tpu.vector_load %get3A_407[%get3A_408, %get3A_409] {strides = array<i32>} : memref<16x1024xf32, #tpu.memory_space<vmem>>, vector<1x16xf32>,
            %get3A_411 = vector.shape_cast %get3A_410 : vector<1x16xf32> to vector<1x16xf32>
            %get3A_412 = arith.constant 0 : i32
            %get3A_413 = arith.constant 0 : i32
            %get3A_414 = tpu.memref_slice %run_scoped3A_10[%rem3A_276, %get3A_412, %get3A_413] : memref<2x16x1024xf32, #tpu.memory_space<vmem>> -> memref<1x16x1024xf32, #tpu.memory_space<vmem>>
            %get3A_415 = tpu.memref_squeeze %get3A_414 : memref<1x16x1024xf32, #tpu.memory_space<vmem>> -> memref<16x1024xf32, #tpu.memory_space<vmem>>
            %get3A_416 = arith.index_cast %add3A_392 : i32 to index
            %get3A_417 = arith.index_cast %add3A_404 : i32 to index
            %get3A_418 = tpu.vector_load %get3A_415[%get3A_416, %get3A_417] {strides = array<i32>} : memref<16x1024xf32, #tpu.memory_space<vmem>>, vector<1x16xf32>,
            %get3A_419 = vector.shape_cast %get3A_418 : vector<1x16xf32> to vector<1x16xf32>
            %add3A_420 = arith.addf %get3A_411, %get3A_419 : vector<1x16xf32>
            %swap3A = arith.constant 0 : i32
            %swap3A_421 = arith.constant 0 : i32
            %swap3A_422 = tpu.memref_slice %run_scoped3A_12[%rem3A_278, %swap3A, %swap3A_421] : memref<2x16x1024xf32, #tpu.memory_space<vmem>> -> memref<1x16x1024xf32, #tpu.memory_space<vmem>>
            %swap3A_423 = tpu.memref_squeeze %swap3A_422 : memref<1x16x1024xf32, #tpu.memory_space<vmem>> -> memref<16x1024xf32, #tpu.memory_space<vmem>>
            %swap3A_424 = arith.index_cast %add3A_392 : i32 to index
            %swap3A_425 = arith.index_cast %add3A_404 : i32 to index
            %swap3A_426 = tpu.vector_load %swap3A_423[%swap3A_424, %swap3A_425] {strides = array<i32>} : memref<16x1024xf32, #tpu.memory_space<vmem>>, vector<1x16xf32>,
            %swap3A_427 = vector.shape_cast %swap3A_426 : vector<1x16xf32> to vector<1x16xf32>
            %swap3A_428 = vector.shape_cast %add3A_420 : vector<1x16xf32> to vector<1x16xf32>
            tpu.vector_store %swap3A_423[%swap3A_424, %swap3A_425], %swap3A_428 {strides = array<i32>} : memref<16x1024xf32, #tpu.memory_space<vmem>>, vector<1x16xf32>,
            %add3A_429 = arith.constant 16 : i32
            %add3A_430 = arith.addi %add3A_402, %add3A_429 : i32
            %get3A_431 = arith.constant 0 : i32
            %get3A_432 = arith.constant 0 : i32
            %get3A_433 = tpu.memref_slice %run_scoped3A_8[%rem3A_274, %get3A_431, %get3A_432] : memref<2x16x1024xf32, #tpu.memory_space<vmem>> -> memref<1x16x1024xf32, #tpu.memory_space<vmem>>
            %get3A_434 = tpu.memref_squeeze %get3A_433 : memref<1x16x1024xf32, #tpu.memory_space<vmem>> -> memref<16x1024xf32, #tpu.memory_space<vmem>>
            %get3A_435 = arith.index_cast %add3A_392 : i32 to index
            %get3A_436 = arith.index_cast %add3A_430 : i32 to index
            %get3A_437 = tpu.vector_load %get3A_434[%get3A_435, %get3A_436] {strides = array<i32>} : memref<16x1024xf32, #tpu.memory_space<vmem>>, vector<1x16xf32>,
            %get3A_438 = vector.shape_cast %get3A_437 : vector<1x16xf32> to vector<1x16xf32>
            %get3A_439 = arith.constant 0 : i32
            %get3A_440 = arith.constant 0 : i32
            %get3A_441 = tpu.memref_slice %run_scoped3A_10[%rem3A_276, %get3A_439, %get3A_440] : memref<2x16x1024xf32, #tpu.memory_space<vmem>> -> memref<1x16x1024xf32, #tpu.memory_space<vmem>>
            %get3A_442 = tpu.memref_squeeze %get3A_441 : memref<1x16x1024xf32, #tpu.memory_space<vmem>> -> memref<16x1024xf32, #tpu.memory_space<vmem>>
            %get3A_443 = arith.index_cast %add3A_392 : i32 to index
            %get3A_444 = arith.index_cast %add3A_430 : i32 to index
            %get3A_445 = tpu.vector_load %get3A_442[%get3A_443, %get3A_444] {strides = array<i32>} : memref<16x1024xf32, #tpu.memory_space<vmem>>, vector<1x16xf32>,
            %get3A_446 = vector.shape_cast %get3A_445 : vector<1x16xf32> to vector<1x16xf32>
            %add3A_447 = arith.addf %get3A_438, %get3A_446 : vector<1x16xf32>
            %swap3A_448 = arith.constant 0 : i32
            %swap3A_449 = arith.constant 0 : i32
            %swap3A_450 = tpu.memref_slice %run_scoped3A_12[%rem3A_278, %swap3A_448, %swap3A_449] : memref<2x16x1024xf32, #tpu.memory_space<vmem>> -> memref<1x16x1024xf32, #tpu.memory_space<vmem>>
            %swap3A_451 = tpu.memref_squeeze %swap3A_450 : memref<1x16x1024xf32, #tpu.memory_space<vmem>> -> memref<16x1024xf32, #tpu.memory_space<vmem>>
            %swap3A_452 = arith.index_cast %add3A_392 : i32 to index
            %swap3A_453 = arith.index_cast %add3A_430 : i32 to index
            %swap3A_454 = tpu.vector_load %swap3A_451[%swap3A_452, %swap3A_453] {strides = array<i32>} : memref<16x1024xf32, #tpu.memory_space<vmem>>, vector<1x16xf32>,
            %swap3A_455 = vector.shape_cast %swap3A_454 : vector<1x16xf32> to vector<1x16xf32>
            %swap3A_456 = vector.shape_cast %add3A_447 : vector<1x16xf32> to vector<1x16xf32>
            tpu.vector_store %swap3A_451[%swap3A_452, %swap3A_453], %swap3A_456 {strides = array<i32>} : memref<16x1024xf32, #tpu.memory_space<vmem>>, vector<1x16xf32>,
            %add3A_457 = arith.constant 32 : i32
            %add3A_458 = arith.addi %add3A_402, %add3A_457 : i32
            %get3A_459 = arith.constant 0 : i32
            %get3A_460 = arith.constant 0 : i32
            %get3A_461 = tpu.memref_slice %run_scoped3A_8[%rem3A_274, %get3A_459, %get3A_460] : memref<2x16x1024xf32, #tpu.memory_space<vmem>> -> memref<1x16x1024xf32, #tpu.memory_space<vmem>>
            %get3A_462 = tpu.memref_squeeze %get3A_461 : memref<1x16x1024xf32, #tpu.memory_space<vmem>> -> memref<16x1024xf32, #tpu.memory_space<vmem>>
            %get3A_463 = arith.index_cast %add3A_392 : i32 to index
            %get3A_464 = arith.index_cast %add3A_458 : i32 to index
            %get3A_465 = tpu.vector_load %get3A_462[%get3A_463, %get3A_464] {strides = array<i32>} : memref<16x1024xf32, #tpu.memory_space<vmem>>, vector<1x16xf32>,
            %get3A_466 = vector.shape_cast %get3A_465 : vector<1x16xf32> to vector<1x16xf32>
            %get3A_467 = arith.constant 0 : i32
            %get3A_468 = arith.constant 0 : i32
            %get3A_469 = tpu.memref_slice %run_scoped3A_10[%rem3A_276, %get3A_467, %get3A_468] : memref<2x16x1024xf32, #tpu.memory_space<vmem>> -> memref<1x16x1024xf32, #tpu.memory_space<vmem>>
            %get3A_470 = tpu.memref_squeeze %get3A_469 : memref<1x16x1024xf32, #tpu.memory_space<vmem>> -> memref<16x1024xf32, #tpu.memory_space<vmem>>
            %get3A_471 = arith.index_cast %add3A_392 : i32 to index
            %get3A_472 = arith.index_cast %add3A_458 : i32 to index
            %get3A_473 = tpu.vector_load %get3A_470[%get3A_471, %get3A_472] {strides = array<i32>} : memref<16x1024xf32, #tpu.memory_space<vmem>>, vector<1x16xf32>,
            %get3A_474 = vector.shape_cast %get3A_473 : vector<1x16xf32> to vector<1x16xf32>
            %add3A_475 = arith.addf %get3A_466, %get3A_474 : vector<1x16xf32>
            %swap3A_476 = arith.constant 0 : i32
            %swap3A_477 = arith.constant 0 : i32
            %swap3A_478 = tpu.memref_slice %run_scoped3A_12[%rem3A_278, %swap3A_476, %swap3A_477] : memref<2x16x1024xf32, #tpu.memory_space<vmem>> -> memref<1x16x1024xf32, #tpu.memory_space<vmem>>
            %swap3A_479 = tpu.memref_squeeze %swap3A_478 : memref<1x16x1024xf32, #tpu.memory_space<vmem>> -> memref<16x1024xf32, #tpu.memory_space<vmem>>
            %swap3A_480 = arith.index_cast %add3A_392 : i32 to index
            %swap3A_481 = arith.index_cast %add3A_458 : i32 to index
            %swap3A_482 = tpu.vector_load %swap3A_479[%swap3A_480, %swap3A_481] {strides = array<i32>} : memref<16x1024xf32, #tpu.memory_space<vmem>>, vector<1x16xf32>,
            %swap3A_483 = vector.shape_cast %swap3A_482 : vector<1x16xf32> to vector<1x16xf32>
            %swap3A_484 = vector.shape_cast %add3A_475 : vector<1x16xf32> to vector<1x16xf32>
            tpu.vector_store %swap3A_479[%swap3A_480, %swap3A_481], %swap3A_484 {strides = array<i32>} : memref<16x1024xf32, #tpu.memory_space<vmem>>, vector<1x16xf32>,
            %add3A_485 = arith.constant 48 : i32
            %add3A_486 = arith.addi %add3A_402, %add3A_485 : i32
            %get3A_487 = arith.constant 0 : i32
            %get3A_488 = arith.constant 0 : i32
            %get3A_489 = tpu.memref_slice %run_scoped3A_8[%rem3A_274, %get3A_487, %get3A_488] : memref<2x16x1024xf32, #tpu.memory_space<vmem>> -> memref<1x16x1024xf32, #tpu.memory_space<vmem>>
            %get3A_490 = tpu.memref_squeeze %get3A_489 : memref<1x16x1024xf32, #tpu.memory_space<vmem>> -> memref<16x1024xf32, #tpu.memory_space<vmem>>
            %get3A_491 = arith.index_cast %add3A_392 : i32 to index
            %get3A_492 = arith.index_cast %add3A_486 : i32 to index
            %get3A_493 = tpu.vector_load %get3A_490[%get3A_491, %get3A_492] {strides = array<i32>} : memref<16x1024xf32, #tpu.memory_space<vmem>>, vector<1x16xf32>,
            %get3A_494 = vector.shape_cast %get3A_493 : vector<1x16xf32> to vector<1x16xf32>
            %get3A_495 = arith.constant 0 : i32
            %get3A_496 = arith.constant 0 : i32
            %get3A_497 = tpu.memref_slice %run_scoped3A_10[%rem3A_276, %get3A_495, %get3A_496] : memref<2x16x1024xf32, #tpu.memory_space<vmem>> -> memref<1x16x1024xf32, #tpu.memory_space<vmem>>
            %get3A_498 = tpu.memref_squeeze %get3A_497 : memref<1x16x1024xf32, #tpu.memory_space<vmem>> -> memref<16x1024xf32, #tpu.memory_space<vmem>>
            %get3A_499 = arith.index_cast %add3A_392 : i32 to index
            %get3A_500 = arith.index_cast %add3A_486 : i32 to index
            %get3A_501 = tpu.vector_load %get3A_498[%get3A_499, %get3A_500] {strides = array<i32>} : memref<16x1024xf32, #tpu.memory_space<vmem>>, vector<1x16xf32>,
            %get3A_502 = vector.shape_cast %get3A_501 : vector<1x16xf32> to vector<1x16xf32>
            %add3A_503 = arith.addf %get3A_494, %get3A_502 : vector<1x16xf32>
            %swap3A_504 = arith.constant 0 : i32
            %swap3A_505 = arith.constant 0 : i32
            %swap3A_506 = tpu.memref_slice %run_scoped3A_12[%rem3A_278, %swap3A_504, %swap3A_505] : memref<2x16x1024xf32, #tpu.memory_space<vmem>> -> memref<1x16x1024xf32, #tpu.memory_space<vmem>>
            %swap3A_507 = tpu.memref_squeeze %swap3A_506 : memref<1x16x1024xf32, #tpu.memory_space<vmem>> -> memref<16x1024xf32, #tpu.memory_space<vmem>>
            %swap3A_508 = arith.index_cast %add3A_392 : i32 to index
            %swap3A_509 = arith.index_cast %add3A_486 : i32 to index
            %swap3A_510 = tpu.vector_load %swap3A_507[%swap3A_508, %swap3A_509] {strides = array<i32>} : memref<16x1024xf32, #tpu.memory_space<vmem>>, vector<1x16xf32>,
            %swap3A_511 = vector.shape_cast %swap3A_510 : vector<1x16xf32> to vector<1x16xf32>
            %swap3A_512 = vector.shape_cast %add3A_503 : vector<1x16xf32> to vector<1x16xf32>
            tpu.vector_store %swap3A_507[%swap3A_508, %swap3A_509], %swap3A_512 {strides = array<i32>} : memref<16x1024xf32, #tpu.memory_space<vmem>>, vector<1x16xf32>,
          }
          %scan3A_397 = arith.constant 16 : i32
        }
        %scan3A_283 = arith.constant 16 : i32
        "tpu.trace_stop"() : () -> ()
        %ne3A_284 = arith.cmpi ne, %add3A_179, %add3A_197 : i32
        %or3A_285 = arith.constant false
        %or3A_286 = arith.ori %or3A_285, %ne3A_284 : i1
        %or3A_287 = arith.constant false
        %or3A_288 = arith.ori %or3A_286, %or3A_287 : i1
        %or3A_289 = arith.ori %or3A_288, %eq3A_178 : i1
        %convert_element_type3A_290 = arith.extui %or3A_289 : i1 to i32
        %cond3A_291 = arith.constant 0 : i32
        %cond3A_292 = arith.cmpi ne, %convert_element_type3A_290, %cond3A_291 : i32
        scf.if %cond3A_292 {
        } else {
        }
        %and3A_293 = arith.constant false
        %and3A_294 = arith.andi %or3A_289, %and3A_293 : i1
        %ne3A_295 = arith.cmpi ne, %add3A_179, %add3A_197 : i32
        %or3A_296 = arith.constant false
        %or3A_297 = arith.ori %or3A_296, %ne3A_295 : i1
        %or3A_298 = arith.constant false
        %or3A_299 = arith.ori %or3A_297, %or3A_298 : i1
        %or3A_300 = arith.ori %or3A_299, %eq3A_178 : i1
        %convert_element_type3A_301 = arith.extui %or3A_300 : i1 to i32
        %cond3A_302 = arith.constant 0 : i32
        %cond3A_303 = arith.cmpi ne, %convert_element_type3A_301, %cond3A_302 : i32
        scf.if %cond3A_303 {
        } else {
        }
        %and3A_304 = arith.constant false
        %and3A_305 = arith.andi %or3A_300, %and3A_304 : i1
        %ne3A_306 = arith.cmpi ne, %add3A_179, %add3A_197 : i32
        %or3A_307 = arith.constant false
        %or3A_308 = arith.ori %or3A_307, %ne3A_306 : i1
        %or3A_309 = arith.constant false
        %or3A_310 = arith.ori %or3A_308, %or3A_309 : i1
        %or3A_311 = arith.ori %or3A_310, %eq3A_178 : i1
        %convert_element_type3A_312 = arith.extui %or3A_311 : i1 to i32
        %cond3A_313 = arith.constant 0 : i32
        %cond3A_314 = arith.cmpi ne, %convert_element_type3A_312, %cond3A_313 : i32
        scf.if %cond3A_314 {
          "tpu.trace_start"() <{level = 10 : i32, message = "ep_copy_out"}> : () -> ()
          %rem3A_388 = arith.constant 2 : i32
          %rem3A_389 = arith.remui %scan3A_172, %rem3A_388 : i32
          %mul3A_390 = arith.constant 16 : i32
          %mul3A_391 = arith.muli %mul3A_390, %add3A_179 : i32
          %dma_start3A_392 = arith.constant 0 : i32
          %dma_start3A_393 = arith.constant 0 : i32
          %dma_start3A_394 = tpu.memref_slice %run_scoped3A_12[%rem3A_389, %dma_start3A_392, %dma_start3A_393] : memref<2x16x1024xf32, #tpu.memory_space<vmem>> -> memref<1x16x1024xf32, #tpu.memory_space<vmem>>
          %dma_start3A_395 = tpu.memref_squeeze %dma_start3A_394 : memref<1x16x1024xf32, #tpu.memory_space<vmem>> -> memref<16x1024xf32, #tpu.memory_space<vmem>>
          %dma_start3A_396 = arith.constant 0 : i32
          %dma_start3A_397 = arith.constant 0 : i32
          %dma_start3A_398 = tpu.memref_slice %arg4[%run_scoped3A_7, %dma_start3A_396, %dma_start3A_397] : memref<1x8192x1024xf32, #tpu.memory_space<hbm>> -> memref<1x8192x1024xf32, #tpu.memory_space<hbm>>
          %dma_start3A_399 = tpu.memref_squeeze %dma_start3A_398 : memref<1x8192x1024xf32, #tpu.memory_space<hbm>> -> memref<8192x1024xf32, #tpu.memory_space<hbm>>
          %dma_start3A_400 = arith.constant 0 : i32
          %dma_start3A_401 = tpu.memref_slice %dma_start3A_399[%mul3A_391, %dma_start3A_400] : memref<8192x1024xf32, #tpu.memory_space<hbm>> -> memref<16x1024xf32, #tpu.memory_space<hbm>>
          %dma_start3A_402 = tpu.memref_slice %run_scoped3A_13[%rem3A_389] : memref<2x!tpu.dma_semaphore, #tpu.memory_space<semaphore_mem>> -> memref<1x!tpu.dma_semaphore, #tpu.memory_space<semaphore_mem>>
          %dma_start3A_403 = tpu.memref_squeeze %dma_start3A_402 : memref<1x!tpu.dma_semaphore, #tpu.memory_space<semaphore_mem>> -> memref<!tpu.dma_semaphore, #tpu.memory_space<semaphore_mem>>
          %dma_start3A_404 = arith.constant 0 : i32
          %dma_start3A_405 = arith.constant 0 : i32
          %dma_start3A_406 = tpu.memref_slice %arg4[%run_scoped3A_7, %dma_start3A_404, %dma_start3A_405] : memref<1x8192x1024xf32, #tpu.memory_space<hbm>> -> memref<1x8192x1024xf32, #tpu.memory_space<hbm>>
          %dma_start3A_407 = tpu.memref_squeeze %dma_start3A_406 : memref<1x8192x1024xf32, #tpu.memory_space<hbm>> -> memref<8192x1024xf32, #tpu.memory_space<hbm>>
          %dma_start3A_408 = arith.constant 0 : i32
          %dma_start3A_409 = tpu.memref_slice %dma_start3A_407[%mul3A_391, %dma_start3A_408] : memref<8192x1024xf32, #tpu.memory_space<hbm>> -> memref<16x1024xf32, #tpu.memory_space<hbm>>
          %dma_start3A_410 = arith.constant 0 : i32
          %dma_start3A_411 = arith.constant 0 : i32
          %dma_start3A_412 = tpu.memref_slice %run_scoped3A_12[%rem3A_389, %dma_start3A_410, %dma_start3A_411] : memref<2x16x1024xf32, #tpu.memory_space<vmem>> -> memref<1x16x1024xf32, #tpu.memory_space<vmem>>
          %dma_start3A_413 = tpu.memref_squeeze %dma_start3A_412 : memref<1x16x1024xf32, #tpu.memory_space<vmem>> -> memref<16x1024xf32, #tpu.memory_space<vmem>>
          tpu.enqueue_dma source(%dma_start3A_413 : memref<16x1024xf32, #tpu.memory_space<vmem>>) target(%dma_start3A_409 : memref<16x1024xf32, #tpu.memory_space<hbm>>) target_semaphore(%dma_start3A_403 : memref<!tpu.dma_semaphore, #tpu.memory_space<semaphore_mem>>)
          "tpu.trace_stop"() : () -> ()
        } else {
        }
        %and3A_315 = arith.constant true
        %and3A_316 = arith.andi %or3A_311, %and3A_315 : i1
        %add3A_317 = arith.constant 1 : i32
        %add3A_318 = arith.addi %scan3A_172, %add3A_317 : i32
        %select_n3A_319 = arith.select %and3A_316, %add3A_318, %scan3A_172 : i32
        %ne3A_320 = arith.cmpi ne, %add3A_179, %add3A_188 : i32
        %or3A_321 = arith.constant false
        %or3A_322 = arith.ori %or3A_321, %ne3A_320 : i1
        %or3A_323 = arith.constant false
        %or3A_324 = arith.ori %or3A_322, %or3A_323 : i1
        %not3A_325 = arith.constant true
        %not3A_326 = arith.xori %eq3A_176, %not3A_325 : i1
        %and3A_327 = arith.andi %or3A_324, %not3A_326 : i1
        %convert_element_type3A_328 = arith.extui %and3A_327 : i1 to i32
        %cond3A_329 = arith.constant 0 : i32
        %cond3A_330 = arith.cmpi ne, %convert_element_type3A_328, %cond3A_329 : i32
        scf.if %cond3A_330 {
        } else {
        }
        %and3A_331 = arith.constant false
        %and3A_332 = arith.andi %and3A_327, %and3A_331 : i1
        %ne3A_333 = arith.cmpi ne, %add3A_179, %add3A_188 : i32
        %or3A_334 = arith.constant false
        %or3A_335 = arith.ori %or3A_334, %ne3A_333 : i1
        %or3A_336 = arith.constant false
        %or3A_337 = arith.ori %or3A_335, %or3A_336 : i1
        %not3A_338 = arith.constant true
        %not3A_339 = arith.xori %eq3A_176, %not3A_338 : i1
        %and3A_340 = arith.andi %or3A_337, %not3A_339 : i1
        %convert_element_type3A_341 = arith.extui %and3A_340 : i1 to i32
        %cond3A_342 = arith.constant 0 : i32
        %cond3A_343 = arith.cmpi ne, %convert_element_type3A_341, %cond3A_342 : i32
        scf.if %cond3A_343 {
        } else {
        }
        %and3A_344 = arith.constant false
        %and3A_345 = arith.andi %and3A_340, %and3A_344 : i1
        %ne3A_346 = arith.cmpi ne, %add3A_179, %add3A_188 : i32
        %or3A_347 = arith.constant false
        %or3A_348 = arith.ori %or3A_347, %ne3A_346 : i1
        %or3A_349 = arith.constant false
        %or3A_350 = arith.ori %or3A_348, %or3A_349 : i1
        %not3A_351 = arith.constant true
        %not3A_352 = arith.xori %eq3A_176, %not3A_351 : i1
        %and3A_353 = arith.andi %or3A_350, %not3A_352 : i1
        %convert_element_type3A_354 = arith.extui %and3A_353 : i1 to i32
        %cond3A_355 = arith.constant 0 : i32
        %cond3A_356 = arith.cmpi ne, %convert_element_type3A_354, %cond3A_355 : i32
        scf.if %cond3A_356 {
          "tpu.trace_start"() <{level = 10 : i32, message = "ep_wait_out"}> : () -> ()
          %rem3A_388 = arith.constant 2 : i32
          %rem3A_389 = arith.remui %scan3A_173, %rem3A_388 : i32
          %mul3A_390 = arith.constant 16 : i32
          %mul3A_391 = arith.muli %mul3A_390, %add3A_188 : i32
          %dma_wait3A_392 = arith.constant 0 : i32
          %dma_wait3A_393 = arith.constant 0 : i32
          %dma_wait3A_394 = tpu.memref_slice %run_scoped3A_12[%rem3A_389, %dma_wait3A_392, %dma_wait3A_393] : memref<2x16x1024xf32, #tpu.memory_space<vmem>> -> memref<1x16x1024xf32, #tpu.memory_space<vmem>>
          %dma_wait3A_395 = tpu.memref_squeeze %dma_wait3A_394 : memref<1x16x1024xf32, #tpu.memory_space<vmem>> -> memref<16x1024xf32, #tpu.memory_space<vmem>>
          %dma_wait3A_396 = arith.constant 0 : i32
          %dma_wait3A_397 = arith.constant 0 : i32
          %dma_wait3A_398 = tpu.memref_slice %arg4[%run_scoped3A_7, %dma_wait3A_396, %dma_wait3A_397] : memref<1x8192x1024xf32, #tpu.memory_space<hbm>> -> memref<1x8192x1024xf32, #tpu.memory_space<hbm>>
          %dma_wait3A_399 = tpu.memref_squeeze %dma_wait3A_398 : memref<1x8192x1024xf32, #tpu.memory_space<hbm>> -> memref<8192x1024xf32, #tpu.memory_space<hbm>>
          %dma_wait3A_400 = arith.constant 0 : i32
          %dma_wait3A_401 = tpu.memref_slice %dma_wait3A_399[%mul3A_391, %dma_wait3A_400] : memref<8192x1024xf32, #tpu.memory_space<hbm>> -> memref<16x1024xf32, #tpu.memory_space<hbm>>
          %dma_wait3A_402 = tpu.memref_slice %run_scoped3A_13[%rem3A_389] : memref<2x!tpu.dma_semaphore, #tpu.memory_space<semaphore_mem>> -> memref<1x!tpu.dma_semaphore, #tpu.memory_space<semaphore_mem>>
          %dma_wait3A_403 = tpu.memref_squeeze %dma_wait3A_402 : memref<1x!tpu.dma_semaphore, #tpu.memory_space<semaphore_mem>> -> memref<!tpu.dma_semaphore, #tpu.memory_space<semaphore_mem>>
          %dma_wait3A_404 = arith.constant 0 : i32
          %dma_wait3A_405 = arith.constant 0 : i32
          %dma_wait3A_406 = tpu.memref_slice %arg4[%run_scoped3A_7, %dma_wait3A_404, %dma_wait3A_405] : memref<1x8192x1024xf32, #tpu.memory_space<hbm>> -> memref<1x8192x1024xf32, #tpu.memory_space<hbm>>
          %dma_wait3A_407 = tpu.memref_squeeze %dma_wait3A_406 : memref<1x8192x1024xf32, #tpu.memory_space<hbm>> -> memref<8192x1024xf32, #tpu.memory_space<hbm>>
          %dma_wait3A_408 = arith.constant 0 : i32
          %dma_wait3A_409 = tpu.memref_slice %dma_wait3A_407[%mul3A_391, %dma_wait3A_408] : memref<8192x1024xf32, #tpu.memory_space<hbm>> -> memref<16x1024xf32, #tpu.memory_space<hbm>>
          %dma_wait3A_410 = arith.constant 0 : i32
          %dma_wait3A_411 = arith.constant 0 : i32
          %dma_wait3A_412 = tpu.memref_slice %run_scoped3A_12[%rem3A_389, %dma_wait3A_410, %dma_wait3A_411] : memref<2x16x1024xf32, #tpu.memory_space<vmem>> -> memref<1x16x1024xf32, #tpu.memory_space<vmem>>
          %dma_wait3A_413 = tpu.memref_squeeze %dma_wait3A_412 : memref<1x16x1024xf32, #tpu.memory_space<vmem>> -> memref<16x1024xf32, #tpu.memory_space<vmem>>
          tpu.wait_dma2 semaphore(%dma_wait3A_403 : memref<!tpu.dma_semaphore, #tpu.memory_space<semaphore_mem>>) src(%dma_wait3A_413 : memref<16x1024xf32, #tpu.memory_space<vmem>>) dst(%dma_wait3A_409 : memref<16x1024xf32, #tpu.memory_space<hbm>>)
          "tpu.trace_stop"() : () -> ()
        } else {
        }
        %and3A_357 = arith.constant true
        %and3A_358 = arith.andi %and3A_353, %and3A_357 : i1
        %add3A_359 = arith.constant 1 : i32
        %add3A_360 = arith.addi %scan3A_173, %add3A_359 : i32
        %select_n3A_361 = arith.select %and3A_358, %add3A_360, %scan3A_173 : i32
        %ne3A_362 = arith.cmpi ne, %add3A_179, %add3A_197 : i32
        %or3A_363 = arith.constant false
        %or3A_364 = arith.ori %or3A_363, %ne3A_362 : i1
        %or3A_365 = arith.constant false
        %or3A_366 = arith.ori %or3A_364, %or3A_365 : i1
        %or3A_367 = arith.ori %or3A_366, %eq3A_178 : i1
        %add3A_368 = arith.constant 1 : i32
        %add3A_369 = arith.addi %scan3A_169, %add3A_368 : i32
        %select_n3A_370 = arith.select %or3A_367, %add3A_369, %scan3A_169 : i32
        %ne3A_371 = arith.cmpi ne, %add3A_179, %add3A_197 : i32
        %or3A_372 = arith.constant false
        %or3A_373 = arith.ori %or3A_372, %ne3A_371 : i1
        %or3A_374 = arith.constant false
        %or3A_375 = arith.ori %or3A_373, %or3A_374 : i1
        %or3A_376 = arith.ori %or3A_375, %eq3A_178 : i1
        %add3A_377 = arith.constant 1 : i32
        %add3A_378 = arith.addi %scan3A_171, %add3A_377 : i32
        %select_n3A_379 = arith.select %or3A_376, %add3A_378, %scan3A_171 : i32
        %add3A_380 = arith.constant 1 : i32
        %add3A_381 = arith.addi %scan3A_174, %add3A_380 : i32
        %select_n3A_382 = arith.constant true
        %select_n3A_383 = arith.select %select_n3A_382, %add3A_381, %scan3A_174 : i32
        %eq3A_384 = arith.constant 16 : i32
        %eq3A_385 = arith.cmpi eq, %select_n3A_383, %eq3A_384 : i32
        %select_n3A_386 = arith.constant 0 : i32
        %select_n3A_387 = arith.select %eq3A_385, %select_n3A_386, %select_n3A_383 : i32
        scf.yield %select_n3A_217, %select_n3A_370, %select_n3A_235, %select_n3A_379, %select_n3A_319, %select_n3A_361, %select_n3A_387 : i32, i32, i32, i32, i32, i32, i32
      }
      %scan3A_106 = arith.constant 16 : i32
      %sub3A = arith.constant 1 : i32
      %sub3A_107 = arith.subi %scan3A_105#6, %sub3A : i32
      %select_n3A_108 = arith.constant true
      %select_n3A_109 = arith.select %select_n3A_108, %sub3A_107, %scan3A_105#6 : i32
      %eq3A_110 = arith.constant -1 : i32
      %eq3A_111 = arith.cmpi eq, %select_n3A_109, %eq3A_110 : i32
      %select_n3A_112 = arith.constant 15 : i32
      %select_n3A_113 = arith.select %eq3A_111, %select_n3A_112, %select_n3A_109 : i32
      %add3A_114 = arith.addi %select_n3A_113, %mul3A_6 : i32
      %sub3A_115 = arith.constant 1 : i32
      %sub3A_116 = arith.subi %select_n3A_113, %sub3A_115 : i32
      %select_n3A_117 = arith.constant true
      %select_n3A_118 = arith.select %select_n3A_117, %sub3A_116, %select_n3A_113 : i32
      %eq3A_119 = arith.constant -1 : i32
      %eq3A_120 = arith.cmpi eq, %select_n3A_118, %eq3A_119 : i32
      %select_n3A_121 = arith.constant 15 : i32
      %select_n3A_122 = arith.select %eq3A_120, %select_n3A_121, %select_n3A_118 : i32
      %add3A_123 = arith.addi %select_n3A_122, %mul3A_6 : i32
      %add3A_124 = arith.constant 1 : i32
      %add3A_125 = arith.addi %select_n3A_113, %add3A_124 : i32
      %select_n3A_126 = arith.constant true
      %select_n3A_127 = arith.select %select_n3A_126, %add3A_125, %select_n3A_113 : i32
      %eq3A_128 = arith.constant 16 : i32
      %eq3A_129 = arith.cmpi eq, %select_n3A_127, %eq3A_128 : i32
      %select_n3A_130 = arith.constant 0 : i32
      %select_n3A_131 = arith.select %eq3A_129, %select_n3A_130, %select_n3A_127 : i32
      %add3A_132 = arith.addi %select_n3A_131, %mul3A_6 : i32
      %add3A_133 = arith.constant 1 : i32
      %add3A_134 = arith.addi %select_n3A_131, %add3A_133 : i32
      %select_n3A_135 = arith.constant true
      %select_n3A_136 = arith.select %select_n3A_135, %add3A_134, %select_n3A_131 : i32
      %eq3A_137 = arith.constant 16 : i32
      %eq3A_138 = arith.cmpi eq, %select_n3A_136, %eq3A_137 : i32
      %select_n3A_139 = arith.constant 0 : i32
      %select_n3A_140 = arith.select %eq3A_138, %select_n3A_139, %select_n3A_136 : i32
      %add3A_141 = arith.addi %select_n3A_140, %mul3A_6 : i32
      "tpu.trace_start"() <{level = 10 : i32, message = "ep_finalize"}> : () -> ()
      %rem3A_142 = arith.constant 2 : i32
      %rem3A_143 = arith.remui %scan3A_105#5, %rem3A_142 : i32
      %mul3A_144 = arith.constant 16 : i32
      %mul3A_145 = arith.muli %mul3A_144, %add3A_114 : i32
      %dma_wait3A = arith.constant 0 : i32
      %dma_wait3A_146 = arith.constant 0 : i32
      %dma_wait3A_147 = tpu.memref_slice %run_scoped3A_12[%rem3A_143, %dma_wait3A, %dma_wait3A_146] : memref<2x16x1024xf32, #tpu.memory_space<vmem>> -> memref<1x16x1024xf32, #tpu.memory_space<vmem>>
      %dma_wait3A_148 = tpu.memref_squeeze %dma_wait3A_147 : memref<1x16x1024xf32, #tpu.memory_space<vmem>> -> memref<16x1024xf32, #tpu.memory_space<vmem>>
      %dma_wait3A_149 = arith.constant 0 : i32
      %dma_wait3A_150 = arith.constant 0 : i32
      %dma_wait3A_151 = tpu.memref_slice %arg4[%run_scoped3A_7, %dma_wait3A_149, %dma_wait3A_150] : memref<1x8192x1024xf32, #tpu.memory_space<hbm>> -> memref<1x8192x1024xf32, #tpu.memory_space<hbm>>
      %dma_wait3A_152 = tpu.memref_squeeze %dma_wait3A_151 : memref<1x8192x1024xf32, #tpu.memory_space<hbm>> -> memref<8192x1024xf32, #tpu.memory_space<hbm>>
      %dma_wait3A_153 = arith.constant 0 : i32
      %dma_wait3A_154 = tpu.memref_slice %dma_wait3A_152[%mul3A_145, %dma_wait3A_153] : memref<8192x1024xf32, #tpu.memory_space<hbm>> -> memref<16x1024xf32, #tpu.memory_space<hbm>>
      %dma_wait3A_155 = tpu.memref_slice %run_scoped3A_13[%rem3A_143] : memref<2x!tpu.dma_semaphore, #tpu.memory_space<semaphore_mem>> -> memref<1x!tpu.dma_semaphore, #tpu.memory_space<semaphore_mem>>
      %dma_wait3A_156 = tpu.memref_squeeze %dma_wait3A_155 : memref<1x!tpu.dma_semaphore, #tpu.memory_space<semaphore_mem>> -> memref<!tpu.dma_semaphore, #tpu.memory_space<semaphore_mem>>
      %dma_wait3A_157 = arith.constant 0 : i32
      %dma_wait3A_158 = arith.constant 0 : i32
      %dma_wait3A_159 = tpu.memref_slice %arg4[%run_scoped3A_7, %dma_wait3A_157, %dma_wait3A_158] : memref<1x8192x1024xf32, #tpu.memory_space<hbm>> -> memref<1x8192x1024xf32, #tpu.memory_space<hbm>>
      %dma_wait3A_160 = tpu.memref_squeeze %dma_wait3A_159 : memref<1x8192x1024xf32, #tpu.memory_space<hbm>> -> memref<8192x1024xf32, #tpu.memory_space<hbm>>
      %dma_wait3A_161 = arith.constant 0 : i32
      %dma_wait3A_162 = tpu.memref_slice %dma_wait3A_160[%mul3A_145, %dma_wait3A_161] : memref<8192x1024xf32, #tpu.memory_space<hbm>> -> memref<16x1024xf32, #tpu.memory_space<hbm>>
      %dma_wait3A_163 = arith.constant 0 : i32
      %dma_wait3A_164 = arith.constant 0 : i32
      %dma_wait3A_165 = tpu.memref_slice %run_scoped3A_12[%rem3A_143, %dma_wait3A_163, %dma_wait3A_164] : memref<2x16x1024xf32, #tpu.memory_space<vmem>> -> memref<1x16x1024xf32, #tpu.memory_space<vmem>>
      %dma_wait3A_166 = tpu.memref_squeeze %dma_wait3A_165 : memref<1x16x1024xf32, #tpu.memory_space<vmem>> -> memref<16x1024xf32, #tpu.memory_space<vmem>>
      tpu.wait_dma2 semaphore(%dma_wait3A_156 : memref<!tpu.dma_semaphore, #tpu.memory_space<semaphore_mem>>) src(%dma_wait3A_166 : memref<16x1024xf32, #tpu.memory_space<vmem>>) dst(%dma_wait3A_162 : memref<16x1024xf32, #tpu.memory_space<hbm>>)
      "tpu.trace_stop"() : () -> ()
      tpu.yield
    }) : () -> ()
    return
  }
}

module attributes {stable_mosaic.version = 14 : i64} {
  func.func @_tc_add_kernel(%arg0: i32, %arg1: memref<3x512x1024xf32, #tpu.memory_space<vmem>>, %arg2: memref<512x1024xf32, #tpu.memory_space<vmem>>, %arg3: memref<3x512x1024xf32, #tpu.memory_space<vmem>>) attributes {dimension_semantics = [#tpu.dimension_semantics<arbitrary>], iteration_bounds = array<i64: 16>, scalar_prefetch = 0 : i64, scratch_operands = 0 : i64, tpu.core_type = #tpu.core_type<tc>, window_params = [{transform_indices = @transform_0, window_bounds = array<i64: 3, 512, 1024>}, {transform_indices = @transform_1, window_bounds = array<i64: 512, 1024>}, {transform_indices = @transform_2, window_bounds = array<i64: 3, 512, 1024>}]} {
    %get3A = arith.constant 0 : index
    %get3A_0 = arith.constant 0 : index
    %get3A_1 = arith.constant 0 : index
    %get3A_2 = vector.load %arg1[%get3A, %get3A_0, %get3A_1] : memref<3x512x1024xf32, #tpu.memory_space<vmem>>, vector<3x512x1024xf32>
    %get3A_3 = arith.constant 0 : index
    %get3A_4 = arith.constant 0 : index
    %get3A_5 = vector.load %arg2[%get3A_3, %get3A_4] : memref<512x1024xf32, #tpu.memory_space<vmem>>, vector<512x1024xf32>
    %broadcast_in_dim3A = vector.shape_cast %get3A_5 : vector<512x1024xf32> to vector<1x512x1024xf32>
    %add3A = vector.broadcast %broadcast_in_dim3A : vector<1x512x1024xf32> to vector<3x512x1024xf32>
    %add3A_6 = arith.addf %get3A_2, %add3A : vector<3x512x1024xf32>
    %swap3A = arith.constant 0 : index
    %swap3A_7 = arith.constant 0 : index
    %swap3A_8 = arith.constant 0 : index
    %swap3A_9 = vector.load %arg3[%swap3A, %swap3A_7, %swap3A_8] : memref<3x512x1024xf32, #tpu.memory_space<vmem>>, vector<3x512x1024xf32>
    tpu.vector_store %arg3[%swap3A, %swap3A_7, %swap3A_8], %add3A_6 {strides = array<i32>} : memref<3x512x1024xf32, #tpu.memory_space<vmem>>, vector<3x512x1024xf32>,
    return
  }
  func.func @transform_0(%arg0: i32) -> (i32, i32, i32) {
    %c0_i32 = arith.constant 0 : i32
    %c0_i32_0 = arith.constant 0 : i32
    %c0_i32_1 = arith.constant 0 : i32
    return %c0_i32, %arg0, %c0_i32_0 : i32, i32, i32
  }
  func.func @transform_1(%arg0: i32) -> (i32, i32) {
    %c0_i32 = arith.constant 0 : i32
    %c0_i32_0 = arith.constant 0 : i32
    return %arg0, %c0_i32 : i32, i32
  }
  func.func @transform_2(%arg0: i32) -> (i32, i32, i32) {
    %c0_i32 = arith.constant 0 : i32
    %c0_i32_0 = arith.constant 0 : i32
    %c0_i32_1 = arith.constant 0 : i32
    return %c0_i32, %arg0, %c0_i32_0 : i32, i32, i32
  }
}

</mosaic_0001>

<sc_bundles>
// kernel: kernel.4.cloned.1.call-start
scs
__scs_entry_jumppad:
0x0: {  	(pc) =	sbr.rel $0x88, $3  }
0x1: {  	(tag) =	ssettag $0x0;
	lr =	simm.s32 $0x1  }
0x2: {  	[smem:$0x3F9F] =	sst lr;
	_ =	strace $0xD0000000  }
0x3: {  	_ = 	snop  }
0x4: {  	_ = 	snop  }
0x5: {  	_ = 	snop  }
0x6: {  	_ = 	snop  }
0x7: {  	_ = 	snop  }
__scs_overlays_trampoline_lowered:
0x8: {  	[smem:$0x3FAE] =	sst s0  }
0x9: {  	[smem:$0x3FAF] =	sst s1  }
0xa: {  	[smem:$0x3FB0] =	sst s2  }
0xb: {  	[smem:$0x3FB1] =	sst s3  }
0xc: {  	[smem:$0x3FB2] =	sst s4  }
0xd: {  	[smem:$0x3FB3] =	sst s5  }
0xe: {  	[smem:$0x3FB4] =	sst s6  }
0xf: {  	[smem:$0x3FB5] =	sst s7  }
0x10: {  	[smem:$0x3FB6] =	sst s8  }
0x11: {  	[smem:$0x3FB7] =	sst s9;
	s0 =	simm.s32 @!p0 $0x0  }
0x12: {  	s1 =	sld [smem:$0x3F9D];
	s0 =	simm.s32 @p0 $0x1  }
0x13: {  	[smem:$0x3FB8] =	sst s0;
	s0 =	simm.s32 @!p1 $0x0  }
0x14: {  	s2 =	sld [smem:$0x3F9C];
	s0 =	simm.s32 @p1 $0x1  }
0x15: {  	[smem:$0x3FB9] =	sst s0;
	s0 =	simm.s32 @!p2 $0x0  }
0x16: {  	s3 =	sld [smem:$0x3FDB];
	s0 =	simm.s32 @p2 $0x1  }
0x17: {  	s4 =	simm.s32 $0x1BF5;
	[smem:$0x3FBB] =	sst s0  }
0x18: {  	s0 =	sld [smem:$0x3F9E];
	_ =	swait.ge [sflag:s4], $0x0  }
0x19: {  	s7 =	sld [smem:$0x3F9F]  }
0x1a: {  	s8 =	sadd.s32 $0xFFFFE003, lr  }
0x1b: {  	s9 =	sadd.s32 $0xFFFFFEF7, lr;
	s5 =	simm.s32 $0xFFFFFFFF;
	p2 =	slt.u32 s8, $0xFFFFF086  }
0x1c: {  	p1 =	slt.u32 s9, $0xF7A;
	s5 =	simm.s32 @!p2 $0x0  }
0x1d: {  	s5 =	simm.s32 @p1 $0x1;
	p0 =	seq.s32 s7, s2  }
0x1e: {  	s7 =	smul.u32 @!p0 $0xF7A, s2;
	p2 =	seq.s32 @!p0 s5, $0x0  }
0x1f: {  	s9 =	smul.u32 $0xF7A, s1;
	s8 =	simm.s32 @!p0 $0x1BF5;
	p2 =	por !p2, p0  }
0x20: {  	[sflag:s8] =	ssyncset.s32 @!p0 $0xFFFFF086;
	s6 =	sadd.s32 @!p0 s3, s7;
	s7 =	simm.s32 @!p0 $0x108  }
0x21: {  	s3 =	sadd.s32 s3, s9;
	s6 =	sadd.s32 @!p0 $0x88, s6;
	s7 =	simm.s32 @p2 $0x1082  }
0x22: {  	[simem:s7], [sflag:s8] =	dma.local @!p0 [hbm:s6], $0xF7A  }
0x23: {  	s9 =	sor.u32 $0xD0000000, s2;
	s6 =	simm.s32 $0x108;
	_ =	swait.ge @!p0 [sflag:s8], $0x0  }
0x24: {  	s3 =	sadd.s32 $0x88, s3;
	s6 =	simm.s32 @!p1 $0x1082;
	[sflag:s4] =	ssyncset.s32 $0xFFFFF086  }
0x25: {  	[simem:s6], [sflag:s4] =	dma.local [hbm:s3], $0xF7A  }
0x26: {  	[smem:$0x3F9F] =	sst s1;
	(tag) =	ssettag s2;
	_ =	strace s9  }
0x27: {  	s1 =	sld [smem:$0x3FAF]  }
0x28: {  	s2 =	sld [smem:$0x3FB0]  }
0x29: {  	s4 =	sld [smem:$0x3FB2]  }
0x2a: {  	p0 =	seq.s32 s5, $0x0;
	s5 =	sld [smem:$0x3FB3]  }
0x2b: {  	s6 =	sld [smem:$0x3FB4]  }
0x2c: {  	s7 =	sld [smem:$0x3FB5]  }
0x2d: {  	s3 =	simm.s32 $0x108;
	s8 =	sld [smem:$0x3FB6]  }
0x2e: {  	s3 =	simm.s32 @!p0 $0x1082;
	s9 =	sld [smem:$0x3FB7]  }
0x2f: {  	lr =	sadd.s32 s0, s3;
	s0 =	sld [smem:$0x3FAE]  }
0x30: {  	s3 =	sld [smem:$0x3FB1]  }
0x31: {  	[smem:$0x3FBA] =	sst s10  }
0x32: {  	s10 =	sld [smem:$0x3FB8];
	_ =	sdelay $0x3  }
0x33: {  	p0 =	seq.s32 s10, $0x1;
	s10 =	sld [smem:$0x3FBA];
	_ =	sdelay $0x3  }
0x34: {  	[smem:$0x3FBA] =	sst s10  }
0x35: {  	s10 =	sld [smem:$0x3FB9];
	_ =	sdelay $0x3  }
0x36: {  	p1 =	seq.s32 s10, $0x1;
	s10 =	sld [smem:$0x3FBA];
	_ =	sdelay $0x3  }
0x37: {  	[smem:$0x3FBA] =	sst s10  }
0x38: {  	s10 =	sld [smem:$0x3FBB]  }
0x39: {  	_ = 	snop;
	(pc) =	sbr.ind lr, $3  }
0x3a: {  	_ = 	snop  }
0x3b: {  	_ = 	snop  }
0x3c: {  	p2 =	seq.s32 s10, $0x1;
	s10 =	sld [smem:$0x3FBA]  }
0x3d: {  	_ =	shalt  }
0x3e: {  	_ =	shalt  }
0x3f: {  	_ =	shalt  }
0x40: {  	_ =	shalt  }
0x41: {  	_ =	shalt  }
0x42: {  	_ =	shalt  }
0x43: {  	_ =	shalt  }
0x44: {  	_ =	shalt  }
0x45: {  	_ =	shalt  }
0x46: {  	_ =	shalt  }
0x47: {  	_ =	shalt  }
0x48: {  	_ =	shalt  }
0x49: {  	_ =	shalt  }
0x4a: {  	_ =	shalt  }
0x4b: {  	_ =	shalt  }
0x4c: {  	_ =	shalt  }
0x4d: {  	_ =	shalt  }
0x4e: {  	_ =	shalt  }
0x4f: {  	_ =	shalt  }
0x50: {  	_ =	shalt  }
0x51: {  	_ =	shalt  }
0x52: {  	_ =	shalt  }
0x53: {  	_ =	shalt  }
0x54: {  	_ =	shalt  }
0x55: {  	_ =	shalt  }
0x56: {  	_ =	shalt  }
0x57: {  	_ =	shalt  }
0x58: {  	_ =	shalt  }
0x59: {  	_ =	shalt  }
0x5a: {  	_ =	shalt  }
0x5b: {  	_ =	shalt  }
0x5c: {  	_ =	shalt  }
0x5d: {  	_ =	shalt  }
0x5e: {  	_ =	shalt  }
0x5f: {  	_ =	shalt  }
0x60: {  	_ =	shalt  }
0x61: {  	_ =	shalt  }
0x62: {  	_ =	shalt  }
0x63: {  	_ =	shalt  }
0x64: {  	_ =	shalt  }
0x65: {  	_ =	shalt  }
0x66: {  	_ =	shalt  }
0x67: {  	_ =	shalt  }
0x68: {  	_ =	shalt  }
0x69: {  	_ =	shalt  }
0x6a: {  	_ =	shalt  }
0x6b: {  	_ =	shalt  }
0x6c: {  	_ =	shalt  }
0x6d: {  	_ =	shalt  }
0x6e: {  	_ =	shalt  }
0x6f: {  	_ =	shalt  }
0x70: {  	_ =	shalt  }
0x71: {  	_ =	shalt  }
0x72: {  	_ =	shalt  }
0x73: {  	_ =	shalt  }
0x74: {  	_ =	shalt  }
0x75: {  	_ =	shalt  }
0x76: {  	_ =	shalt  }
0x77: {  	_ =	shalt  }
0x78: {  	_ =	shalt  }
0x79: {  	_ =	shalt  }
0x7a: {  	_ =	shalt  }
0x7b: {  	_ =	shalt  }
0x7c: {  	_ =	shalt  }
0x7d: {  	_ =	shalt  }
0x7e: {  	_ =	shalt  }
0x7f: {  	_ =	shalt  }
0x80: {  	_ =	shalt  }
0x81: {  	_ =	shalt  }
0x82: {  	_ =	shalt  }
0x83: {  	_ =	shalt  }
0x84: {  	_ =	shalt  }
0x85: {  	_ =	shalt  }
0x86: {  	_ =	shalt  }
0x87: {  	_ =	shalt  }
.Lfunc_end0:
.L_simem_size_0:
called_computation_lowered:
.L_overlay_start_0:
0x88: {  	s2 =	sld [smem:$0x3FD9]  }
0x89: {  	s3 =	sld [smem:$0x3FFE];
	_ =	sdelay $0x1  }
0x8a: {  	s1 =	srdreg.scid  }
0x8b: {  	s0 =	sand.u32 $0x1, s1  }
0x8c: {  	s17 =	sshll.u32 s0, $0xA;
	s2 =	sadd.s32 s3, s2  }
0x8d: {  	s2 =	sadd.s32 s2, s17  }
0x8e: {  	[smem:$0x3FC6] =	sst s2  }
0x8f: {  	_ = 	snop  }
0x90: {  	s2 =	sld [smem:$0x3FC9]  }
0x91: {  	s18 =	sld [smem:$0x3FC8];
	(tm) =	ssettm $0x1  }
0x92: {  	s4 =	sld [smem:$0x3FFB];
	_ =	sdelay $0x3  }
0x93: {  	_ =	strace s4  }
0x94: {  	s4 =	sld [smem:$0x3FFC];
	_ =	sdelay $0x3  }
0x95: {  	_ =	strace s4  }
0x96: {  	s4 =	sld [smem:$0x3FFD];
	_ =	sdelay $0x3  }
0x97: {  	_ =	strace s4  }
0x98: {  	_ =	strace $0x8FFFFFFF  }
0x99: {  	s19 =	sld [smem:$0x3FDB];
	_ =	sdelay $0x1  }
0x9a: {  	s5 =	simm.s32 $_scs_section_size  }
0x9b: {  	s6 =	simm.s32 $_size__tile_overlayer_lowered;
	s7 =	simm.s32 $_tile_overlayer_lowered  }
0x9c: {  	s22 =	simm.s32 $0x1BFF;
	s21 =	sshll.u32 s7, $0x1;
	s4 =	sadd.s32 s5, s19  }
0x9d: {  	s8 =	simm.s32 $0x0;
	s20 =	sshll.u32 s6, $0x1;
	s6 =	sadd.s32 s21, s4  }
0x9e: {  	[timem:s8], [sflag:s22] =	dma.local [hbm:s6], s20  }
0x9f: {  	_ =	swait.ge [sflag:s22], s20  }
0xa0: {  	s5 =	ssub.s32 $0x0, s20;
	[sflag:s22] =	ssyncset.done $0x0  }
0xa1: {  	[sflag:s22] =	ssyncadd.s32 s5;
	_ =	sdelay $0x1  }
0xa2: {  	s23 =	simm.s32 $0x1B8B  }
0xa3: {  	_ =	swait.ge [sflag:s23], $0x1  }
0xa4: {  	[sflag:s23] =	ssyncset.done $0x0  }
0xa5: {  	s25 =	simm.s32 $0x1B8E;
	s24 =	sld [smem:$0x3FFE];
	[sflag:s23] =	ssyncadd.s32 $0xFFFFFFFF  }
0xa6: {  	s26 =	simm.s32 $execute0_lowered;
	[smem:$0x3FD2] =	sst s25  }
0xa7: {  	s6 =	sshll.u32 s26, $0x1;
	_ =	strace $0x80000046;
	[dreg:$0x1] =	wrdreg $0xFFFFFFFF  }
0xa8: {  	s28 =	simm.s32 $_size_execute0_lowered;
	s4 =	sadd.s32 s4, s6;
	[dreg:$0x0] =	wrdreg $0x0  }
0xa9: {  	s6 =	sshll.u32 s28, $0x1;
	[dreg:$0x2] =	wrdreg s4  }
0xaa: {  	[dreg:$0x3] =	wrdreg s6  }
0xab: {  	[dreg:$0x4] =	wrdreg $0xC0  }
0xac: {  	_ =	task [dreg:s8], $0x5FFFF  }
0xad: {  	[dreg:$0x1] =	wrdreg $0xFFFFFFFF  }
0xae: {  	[dreg:$0x0] =	wrdreg $0x60  }
0xaf: {  	[dreg:$0x2] =	wrdreg s2  }
0xb0: {  	[dreg:$0x3] =	wrdreg s18  }
0xb1: {  	[dreg:$0x4] =	wrdreg s24  }
0xb2: {  	[dreg:$0x5] =	wrdreg $0x9  }
0xb3: {  	_ =	task.clear_ibuf [dreg:s8], $0x6FFFF;
	_ =	strace $0x90000046  }
0xb4: {  	s29 =	simm.s32 $0x9;
	_ =	strace $0x80000051  }
0xb5: {  	_ =	swait.ge [sflag:s29], $0x1  }
0xb6: {  	[sflag:s29] =	ssyncadd.s32 $0xFFFFFFFF  }
0xb7: {  	_ =	strace $0x90000051  }
0xb8: {  	_ =	sfence  }
0xb9: {  	s30 =	sld [smem:$0x0];
	_ =	sdelay $0x2  }
0xba: {  	s31 =	sshll.u32 s1, $0xD;
	s1 =	sshrl.u32 s1, $0x2  }
0xbb: {  	s3 =	sand.u32 $0x4000, s31;
	s1 =	sadd.s32 s1, s30  }
0xbc: {  	s0 =	sor.u32 s3, s0;
	s1 =	sshll.u32 s1, $0x11  }
0xbd: {  	s0 =	sor.u32 s1, s0  }
0xbe: {  	s0 =	sadd.s32 $0x8F2B, s0  }
0xbf: {  	[sflag:s0] =	ssyncadd.remote.s32 $0x1  }
0xc0: {  	_ =	sfence.sel $0xFFFF  }
0xc1: {  	[dreg:$0x0] =	wrdreg $0xFFFFFFFF;
	(pc) =	sbr.abs _section_cstart, $3  }
0xc2: {  	[dreg:$0x1] =	wrdreg $0xFFFFFFFF  }
0xc3: {  	_ =	task.clear_ibuf [dreg:s8], $0x2FFFF;
	_ =	strace $0x9FFFFFFF  }
0xc4: {  	(tm) =	ssettm $0x7FFFFFFF  }
0xc5: {  	_ =	shalt  }
tec
execute0_lowered:
.L_overlay_start_1:
0x0: {  	(tag) =	ssettag $0x1  }
0x1: {  	s0 =	rddreg [dreg:$0x0]  }
0x2: {  	s1 =	rddreg [dreg:$0x1]  }
0x3: {  	s4 =	rddreg [dreg:$0x2];
	s2 =	simm.s32 $0x0;
	s3 =	srdreg.scid  }
0x4: {  	s29 =	stileid.u32;
	s11 =	simm.s32 $0x6;
	s5 =	sand.u32 $0x1, s3  }
0x5: {  	s12 =	simm.s32 $0x0;
	[smem:$0x7FF] =	sst s2;
	s6 =	ssub.s32 $0x2, s5  }
0x6: {  	s4 =	sadd.s32 $0x400, s4;
	s5 =	sshll.u32 s5, $0x4;
	s7 =	sshrl.u32 s6, $0x1  }
0x7: {  	_ =	strace $0x80000047;
	s30 =	sor.u32 s29, s5;
	s8 =	ssub.s32 s6, s7  }
0x8: {  	s5 =	sshll.u32 s30, $0x4;
	s6 =	sadd.s32 $0x300000, s0;
	s31 =	sshll.u32 s30, $0xF  }
0x9: {  	s7 =	sadd.s32 s1, s31;
	s8 =	smax.u32 s8, $0x1;
	s9 =	sadd.s32 s31, s6  }
.LBB2_1:
0xa: {  	_ =	strace $0x80000048;
	s0 =	simm.s32 $0x8000  }
0xb: {  	s21 =	simm.s32 $0x0;
	s13 =	simm.s32 $0x0;
	s14 =	simm.s32 $0x0  }
0xc: {  	[tilespmem:s2], [sflag:$0x1] =	stream.linear.gather [hbm4b:s9+s2], $0x4000, $0x200038;
	[tilespmem:$0x18000] =	vst v63  }
0xd: {  	s15 =	simm.s32 $0x0;
	s16 =	simm.s32 $0x1;
	s17 =	simm.s32 $0x0  }
0xe: {  	[tilespmem:s0], [sflag:$0x3] =	stream.linear.gather [hbm4b:s7+s2], $0x4000, $0x200038;
	[tilespmem:$0x18000] =	vst v63  }
0xf: {  	s18 =	simm.s32 $0x1;
	s19 =	simm.s32 $0x0;
	_ =	strace $0x90000048  }
.LBB2_2:
0x10: {  	s20 =	sadd.s32 $0x1, s21  }
0x11: {  	p0 =	seq.s32 s20, $0x10  }
0x12: {  	s20 =	simm.s32 @p0 $0x0;
	p0 =	seq.s32 s19, $0xF  }
0x13: {  	p1 =	seq.s32 @!p0 s21, s20  }
0x14: {  	p2 =	por p1, p0  }
0x15: {  	s22 =	sadd.s32 @!p2 s5, s20  }
0x16: {  	_ =	strace @!p2 $0x80000049;
	s22 =	sshll.u32 @!p2 s22, $0xB  }
0x17: {  	s23 =	sand.u32 @!p2 $0x1, s18;
	s26 =	simm.s32 @!p2 $0x0;
	s22 =	sand.u32 @!p2 $0x1FFFF800, s22  }
0x18: {  	s24 =	sshll.u32 @!p2 s23, $0xE;
	s23 =	sadd.s32 @!p2 $0x1, s23;
	s25 =	sadd.s32 @!p2 s6, s22  }
0x19: {  	[tilespmem:s24], [sflag:s23] =	stream.linear.gather @!p2 [hbm4b:s25+s26], $0x4000, $0x200038;
	[tilespmem:$0x18000] =	vst v63  }
0x1a: {  	s23 =	sand.u32 @!p2 $0x1, s16  }
0x1b: {  	s22 =	sadd.s32 @!p2 s1, s22;
	_ =	strace @!p2 $0x90000049;
	s24 =	sshll.u32 @!p2 s23, $0xE  }
0x1c: {  	s23 =	sadd.s32 @!p2 $0x3, s23;
	_ =	strace @!p2 $0x8000004A;
	s24 =	sor.u32 @!p2 $0x8000, s24  }
0x1d: {  	[tilespmem:s24], [sflag:s23] =	stream.linear.gather @!p2 [hbm4b:s22+s26], $0x4000, $0x200038;
	[tilespmem:$0x18000] =	vst v63  }
0x1e: {  	s24 =	sand.u32 $0x1, s17;
	_ =	strace @!p2 $0x9000004A  }
0x1f: {  	s30 =	sshll.u32 s17, $0xE;
	s22 =	sadd.s32 $0x1, s24;
	_ =	strace $0x8000004B  }
0x20: {  	s0 =	smov.u32 s18;
	s28 =	sand.u32 $0x4000, s30;
	_ =	swait.ge [sflag:s22], $0x4000  }
0x21: {  	s29 =	sshll.u32 s15, $0xE;
	v0 =	vmov s28;
	s28 =	simm.s32 $0x0;
	[sflag:s22] =	ssyncset.done $0x0  }
0x22: {  	p1 =	por !p1, p0;
	s25 =	sand.u32 $0x1, s15;
	[sflag:s22] =	ssyncadd.s32 $0xFFFFC000  }
0x23: {  	s23 =	sadd.s32 s5, s21;
	s24 =	sadd.s32 @!p2 $0x1, s18;
	_ =	strace $0x9000004B  }
0x24: {  	s26 =	sadd.s32 $0x3, s25;
	s18 =	smov.u32 @p1 s24;
	_ =	strace $0x8000004C  }
0x25: {  	s24 =	sand.u32 $0x1, s14;
	s18 =	smov.u32 @p0 s0;
	_ =	swait.ge [sflag:s26], $0x4000  }
0x26: {  	s0 =	sand.u32 $0x4000, s29;
	s31 =	sshll.u32 s24, $0xE;
	[sflag:s26] =	ssyncset.done $0x0  }
0x27: {  	s0 =	sor.u32 $0x8000, s0;
	s22 =	simm.s32 $0x0;
	[sflag:s26] =	ssyncadd.s32 $0xFFFFC000  }
0x28: {  	s25 =	sor.u32 $0x10000, s31;
	s22 =	simm.s32 @p1 $0x1;
	_ =	strace $0x9000004C  }
0x29: {  	v1 =	vmov s0;
	v2 =	vmov s25;
	s22 =	simm.s32 @p0 $0x0;
	s26 =	simm.s32 $0x0;
	_ =	strace $0x8000004D  }
.LBB2_3:
0x2a: {  	s0 =	sshll.u32 s28, $0xA;
	s29 =	sshll.u32 s28, $0x7  }
0x2b: {  	s0 =	sand.u32 $0x2000, s0;
	s29 =	sand.u32 $0x380, s29  }
0x2c: {  	s10 =	sand.u32 $0x40, s26;
	s29 =	sor.u32 s0, s29  }
0x2d: {  	s30 =	sand.u32 $0x1C00, s26;
	s0 =	sor.u32 s10, s29  }
0x2e: {  	s0 =	sor.u32 s30, s0  }
0x2f: {  	v3 =	vld.idx.msk [tilespmem:v0+s0+$0x0 ss:$0x1], $0xffff  }
0x30: {  	v4 =	vld.idx.msk [tilespmem:v1+s0+$0x0 ss:$0x1], $0xffff;
	_ =	sdelay $0x4  }
0x31: {  	v3 =	vadd.f32 v4, v3;
	_ =	sdelay $0x1  }
0x32: {  	s30 =	sor.u32 $0x10, s0;
	[tilespmem:v2+s0+$0x0 ss:$0x1] =	vst.idx.msk $0xffff, v3  }
0x33: {  	v3 =	vld.idx.msk [tilespmem:v0+s30+$0x0 ss:$0x1], $0xffff  }
0x34: {  	v4 =	vld.idx.msk [tilespmem:v1+s30+$0x0 ss:$0x1], $0xffff;
	_ =	sdelay $0x4  }
0x35: {  	v3 =	vadd.f32 v4, v3;
	_ =	sdelay $0x1  }
0x36: {  	[tilespmem:v2+s30+$0x0 ss:$0x1] =	vst.idx.msk $0xffff, v3;
	s30 =	sor.u32 $0x20, s0  }
0x37: {  	v3 =	vld.idx.msk [tilespmem:v0+s30+$0x0 ss:$0x1], $0xffff  }
0x38: {  	v4 =	vld.idx.msk [tilespmem:v1+s30+$0x0 ss:$0x1], $0xffff;
	_ =	sdelay $0x4  }
0x39: {  	v3 =	vadd.f32 v4, v3;
	_ =	sdelay $0x1  }
0x3a: {  	s0 =	sor.u32 $0x30, s0;
	[tilespmem:v2+s30+$0x0 ss:$0x1] =	vst.idx.msk $0xffff, v3  }
0x3b: {  	v3 =	vld.idx.msk [tilespmem:v0+s0+$0x0 ss:$0x1], $0xffff  }
0x3c: {  	s31 =	simm.s32 $0x0;
	s30 =	simm.s32 $0x40;
	v4 =	vld.idx.msk [tilespmem:v1+s0+$0x0 ss:$0x1], $0xffff  }
.LBB2_4:
0x3d: {  	_ = 	snop  }
0x3e: {  	p1 =	sne.s32 s30, $0x3C0  }
0x3f: {  	s31 =	sadd.s32 $0x200, s31;
	s3 =	smov.u32 s30;
	s30 =	sadd.s32 $0x40, s30  }
0x40: {  	_ = 	snop  }
0x41: {  	s3 =	sand.u32 $0x40, s3;
	v3 =	vadd.f32 v4, v3  }
0x42: {  	s10 =	sand.u32 $0x1C00, s31;
	s3 =	sor.u32 s3, s29  }
0x43: {  	s3 =	sor.u32 s10, s3;
	[tilespmem:v2+s0+$0x0 ss:$0x1] =	vst.idx.msk $0xffff, v3  }
0x44: {  	v3 =	vld.idx.msk [tilespmem:v0+s3+$0x0 ss:$0x1], $0xffff  }
0x45: {  	v4 =	vld.idx.msk [tilespmem:v1+s3+$0x0 ss:$0x1], $0xffff;
	_ =	sdelay $0x5  }
0x46: {  	v3 =	vadd.f32 v4, v3;
	_ =	sdelay $0x1  }
0x47: {  	s0 =	sor.u32 $0x10, s3;
	[tilespmem:v2+s3+$0x0 ss:$0x1] =	vst.idx.msk $0xffff, v3  }
0x48: {  	v3 =	vld.idx.msk [tilespmem:v0+s0+$0x0 ss:$0x1], $0xffff  }
0x49: {  	v4 =	vld.idx.msk [tilespmem:v1+s0+$0x0 ss:$0x1], $0xffff;
	_ =	sdelay $0x5  }
0x4a: {  	v3 =	vadd.f32 v4, v3;
	_ =	sdelay $0x1  }
0x4b: {  	[tilespmem:v2+s0+$0x0 ss:$0x1] =	vst.idx.msk $0xffff, v3;
	s0 =	sor.u32 $0x20, s3  }
0x4c: {  	v3 =	vld.idx.msk [tilespmem:v0+s0+$0x0 ss:$0x1], $0xffff  }
0x4d: {  	v4 =	vld.idx.msk [tilespmem:v1+s0+$0x0 ss:$0x1], $0xffff;
	_ =	sdelay $0x5  }
.Ltmp0:
0x4e: {  	v3 =	vadd.f32 v4, v3;
	(pc) =	sbr.rel @p1 .LBB2_4-.Ltmp0, $4  }
0x4f: {  	_ = 	snop  }
0x50: {  	[tilespmem:v2+s0+$0x0 ss:$0x1] =	vst.idx.msk $0xffff, v3;
	s0 =	sor.u32 $0x30, s3  }
0x51: {  	v3 =	vld.idx.msk [tilespmem:v0+s0+$0x0 ss:$0x1], $0xffff  }
0x52: {  	v4 =	vld.idx.msk [tilespmem:v1+s0+$0x0 ss:$0x1], $0xffff  }
0x53: {  	s28 =	sadd.s32 $0x1, s28  }
0x54: {  	p1 =	sne.s32 s28, $0x10  }
.Ltmp1:
0x55: {  	_ = 	snop;
	(pc) =	sbr.rel @p1 .LBB2_3-.Ltmp1, $3  }
0x56: {  	_ = 	snop  }
0x57: {  	v3 =	vadd.f32 v4, v3;
	_ =	sdelay $0x1  }
0x58: {  	[tilespmem:v2+s0+$0x0 ss:$0x1] =	vst.idx.msk $0xffff, v3  }
0x59: {  	p1 =	sne.s32 s21, s20  }
0x5a: {  	p0 =	por p0, p1  }
0x5b: {  	_ =	strace $0x9000004D;
	s0 =	sshll.u32 @p0 s23, $0xB  }
0x5c: {  	p1 =	seq.s32 s19, $0x0;
	_ =	strace @p0 $0x8000004E;
	s0 =	sand.u32 @p0 $0x1FFFF800, s0  }
0x5d: {  	s3 =	sadd.s32 @p0 $0x5, s24;
	s10 =	simm.s32 @p0 $0x0;
	s0 =	sadd.s32 @p0 s4, s0  }
0x5e: {  	[hbm4b:s0+s10] =	stream.linear.scatter @p0 [tilespmem:s25], [sflag:s3], $0x4000, $0x200038;
	[tilespmem:$0x18000] =	vst v63  }
0x5f: {  	s0 =	sand.u32 @!p1 $0x1, s13;
	_ =	strace @p0 $0x9000004E  }
0x60: {  	s0 =	sadd.s32 @!p1 $0x5, s0;
	_ =	strace @!p1 $0x8000004F  }
0x61: {  	s3 =	simm.s32 $0x1;
	_ =	swait.ge @!p1 [sflag:s0], $0x4000  }
0x62: {  	s3 =	simm.s32 @!p0 $0x0;
	p0 =	sne.s32 s19, $0x0;
	[sflag:s0] =	ssyncset.done @!p1 $0x0  }
0x63: {  	s19 =	sadd.s32 $0x1, s19;
	[sflag:s0] =	ssyncadd.s32 @!p1 $0xFFFFC000;
	s0 =	simm.s32 $0x1  }
0x64: {  	s0 =	simm.s32 @!p0 $0x0;
	p0 =	sne.s32 s19, $0x10  }
.Ltmp2:
0x65: {  	_ = 	snop;
	(pc) =	sbr.rel @p0 .LBB2_2-.Ltmp2, $4  }
0x66: {  	_ = 	snop  }
0x67: {  	s16 =	sadd.s32 s16, s22  }
0x68: {  	s21 =	smov.u32 s20;
	s14 =	sadd.s32 s3, s14;
	s17 =	sadd.s32 s3, s17  }
0x69: {  	s15 =	sadd.s32 s3, s15;
	_ =	strace @!p1 $0x9000004F;
	s13 =	sadd.s32 s0, s13  }
0x6a: {  	s12 =	sadd.s32 $0x1, s12  }
0x6b: {  	p0 =	sne.s32 s12, s8  }
.Ltmp3:
0x6c: {  	_ =	strace $0x80000050;
	(pc) =	sbr.rel @p0 .LBB2_1-.Ltmp3, $4  }
0x6d: {  	_ =	swait.ge [sflag:s11], $0x4000  }
0x6e: {  	[sflag:s11] =	ssyncset.done $0x0  }
0x6f: {  	[sflag:s11] =	ssyncadd.s32 $0xFFFFC000  }
0x70: {  	_ =	strace $0x90000050  }
0x71: {  	_ =	sfence.sel $0x180000  }
0x72: {  	[bflag:$0x0] =	sbarrier.arrive $0xFFFF  }
0x73: {  	_ =	strace $0x90000047  }
0x74: {  	s0 =	stileid.u32;
	[bflag:$0x2] =	sbarrier.arrive $0xFFFF  }
0x75: {  	p0 =	sne.s32 s0, $0x0;
	s0 =	rddreg [dreg:$0x3]  }
0x76: {  	s0 =	sadd.s32 @!p0 $0x100000, s0  }
0x77: {  	[sflag:s0] =	ssyncadd.tile.s32 @!p0 $0x1;
	_ =	shalt  }
.Lfunc_end2:
_tile_overlayer_lowered:
.L_overlay_start_2:
0x78: {  	(tag) =	ssettag $0x2  }
0x79: {  	s0 =	rddreg [dreg:$0x0];
	s2 =	stileid.u32  }
0x7a: {  	s1 =	rddreg [dreg:$0x1];
	p0 =	sne.s32 s2, $0x0  }
0x7b: {  	s3 =	rddreg [dreg:$0x2];
	[bflag:$0x3] =	sbarrier.arrive $0xFFFF;
	s2 =	simm.s32 @!p0 $0x1C01  }
0x7c: {  	[timem:s3], [sflag:s2] =	dma.local @!p0 [hbm:s0], s1  }
0x7d: {  	s0 =	simm.s32 @!p0 $0x1  }
0x7e: {  	_ =	swait.ge @!p0 [sflag:s0], s1  }
0x7f: {  	s1 =	ssub.s32 @!p0 $0x0, s1;
	[sflag:s0] =	ssyncset.done @!p0 $0x0  }
0x80: {  	[sflag:s0] =	ssyncadd.s32 @!p0 s1  }
0x81: {  	[bflag:$0x3] =	sbarrier.arrive $0xFFFF  }
0x82: {  	_ =	shalt  }

</sc_bundles>
